<compile_context>
chip_gen: v7x
topology: tpu7x:2x2x1
jax: 0.10.2.dev20260603
libtpu: 0.0.44.dev20260713+nightly
codegen_flags: <defaults>
</compile_context>

<pallas_src>
import functools

import jax
import jax.numpy as jnp
from jax import lax
from jax.experimental import pallas as pl
from jax.experimental.pallas import tpu as pltpu
from jax.experimental.pallas import tpu_sc as plsc

N = 50000
E = 800000
G = 64

NC = 2
NS = 16
NW = NC * NS
NP = 51200
RPT = NP // NS
EP = 819200
CH = 2000
NCHUNKS = E // CH

BN = 1024
BF = 2048
BE = 16384

_f32 = jnp.float32


def _enc_node_body(xt_ref, w1, b1, w2, b2, ws, nt_ref, t0_ref, t1_ref):
    h = jnp.maximum(
        lax.dot_general(w1[...], xt_ref[...], (((0,), (0,)), ((), ())),
                        preferred_element_type=_f32) + b1[...], 0.0)
    nnt = jnp.maximum(
        lax.dot_general(w2[...], h, (((0,), (0,)), ((), ())),
                        preferred_element_type=_f32) + b2[...], 0.0)
    nt_ref[...] = nnt
    ns2t = lax.dot_general(ws[...], nnt, (((0,), (0,)), ((), ())),
                           preferred_element_type=_f32)
    t0_ref[...] = ns2t[0]
    t1_ref[...] = ns2t[1]


def _enc_edge_body(a0_ref, a1_ref, w1, b1, w2, b2, we, ble, e0_ref, e1_ref):
    a0 = a0_ref[...]
    a1 = a1_ref[...]
    h1 = [jnp.maximum(a0 * w1[0, j] + a1 * w1[1, j] + b1[0, j], 0.0)
          for j in range(4)]
    h2 = [jnp.maximum(h1[0] * w2[0, k] + h1[1] * w2[1, k]
                      + h1[2] * w2[2, k] + h1[3] * w2[3, k] + b2[0, k], 0.0)
          for k in range(16)]
    for c, ref in ((0, e0_ref), (1, e1_ref)):
        acc = h2[0] * we[0, c]
        for k in range(1, 16):
            acc = acc + h2[k] * we[k, c]
        ref[...] = acc + ble[0, c]


def _full(shape):
    nd = len(shape)
    return pl.BlockSpec(shape, lambda i: (0,) * nd)


def _sc_body(send_hbm, recv_hbm, ec0_hbm, ec1_hbm, t0_hbm, t1_hbm,
             zeros_hbm, ones_hbm, acc_hbm,
             s_v, r_v, e0_v, e1_v, c0_v, c1_v, ones_v, stage_v,
             sem_l, sem_g, sem_s,
             t0, t1, ai0, ai1, ci, ao0, ao1, co):
    core = lax.axis_index("c")
    sid = lax.axis_index("s")
    wid = sid * NC + core
    r0 = sid * RPT

    pltpu.sync_copy(t0_hbm.at[pl.ds(r0, RPT)], stage_v)
    pltpu.sync_copy(stage_v, t0.at[pl.ds(r0, RPT)])
    pltpu.sync_copy(t1_hbm.at[pl.ds(r0, RPT)], stage_v)
    pltpu.sync_copy(stage_v, t1.at[pl.ds(r0, RPT)])
    pltpu.sync_copy(zeros_hbm.at[pl.ds(r0, RPT)], stage_v)
    for acc in (ai0, ai1, ci, ao0, ao1, co):
        pltpu.sync_copy(stage_v, acc.at[pl.ds(r0, RPT)])
    pltpu.sync_copy(ones_hbm, ones_v)
    plsc.subcore_barrier()

    nloc = (NCHUNKS - wid + NW - 1) // NW

    def chunk(j, carry):
        off = (wid + j * NW) * CH
        ld_s = pltpu.async_copy(send_hbm.at[pl.ds(off, CH)], s_v, sem_l)
        ld_r = pltpu.async_copy(recv_hbm.at[pl.ds(off, CH)], r_v, sem_l)
        ld_0 = pltpu.async_copy(ec0_hbm.at[pl.ds(off, CH)], e0_v, sem_l)
        ld_1 = pltpu.async_copy(ec1_hbm.at[pl.ds(off, CH)], e1_v, sem_l)
        ld_s.wait()
        g_0 = pltpu.async_copy(t0.at[s_v], c0_v, sem_g)
        g_1 = pltpu.async_copy(t1.at[s_v], c1_v, sem_g)
        ld_r.wait()
        ld_0.wait()
        ld_1.wait()
        g_0.wait()
        g_1.wait()

        def vloop(m, c):
            sl = pl.ds(16 * m, 16)
            e0_v[sl] = jnp.maximum(e0_v[sl] + c0_v[sl], 0.0)
            e1_v[sl] = jnp.maximum(e1_v[sl] + c1_v[sl], 0.0)
            return c

        lax.fori_loop(0, CH // 16, vloop, 0, unroll=False)

        sc = [pltpu.async_copy(e0_v, ai0.at[r_v], sem_s, add=True),
              pltpu.async_copy(e1_v, ai1.at[r_v], sem_s, add=True),
              pltpu.async_copy(ones_v, ci.at[r_v], sem_s, add=True),
              pltpu.async_copy(e0_v, ao0.at[s_v], sem_s, add=True),
              pltpu.async_copy(e1_v, ao1.at[s_v], sem_s, add=True),
              pltpu.async_copy(ones_v, co.at[s_v], sem_s, add=True)]
        for d in sc:
            d.wait()
        return carry

    lax.fori_loop(0, nloc, chunk, 0, unroll=False)
    plsc.subcore_barrier()

    for arr, acc in enumerate((ai0, ai1, ci, ao0, ao1, co)):
        pltpu.sync_copy(acc.at[pl.ds(r0, RPT)], stage_v)
        pltpu.sync_copy(stage_v,
                        acc_hbm.at[pl.ds(core * (6 * NP) + arr * NP + r0,
                                         RPT)])


_sc_edge_phase = functools.partial(
    pl.kernel,
    out_type=jax.ShapeDtypeStruct((NC * 6 * NP,), _f32),
    mesh=plsc.VectorSubcoreMesh(core_axis_name="c", subcore_axis_name="s",
                                num_cores=NC, num_subcores=NS),
    scratch_types=[
        pltpu.VMEM((CH,), jnp.int32),
        pltpu.VMEM((CH,), jnp.int32),
        pltpu.VMEM((CH,), _f32),
        pltpu.VMEM((CH,), _f32),
        pltpu.VMEM((CH,), _f32),
        pltpu.VMEM((CH,), _f32),
        pltpu.VMEM((CH,), _f32),
        pltpu.VMEM((RPT,), _f32),
        pltpu.SemaphoreType.DMA,
        pltpu.SemaphoreType.DMA,
        pltpu.SemaphoreType.DMA,
        pltpu.VMEM_SHARED((NP,), _f32),
        pltpu.VMEM_SHARED((NP,), _f32),
        pltpu.VMEM_SHARED((NP,), _f32),
        pltpu.VMEM_SHARED((NP,), _f32),
        pltpu.VMEM_SHARED((NP,), _f32),
        pltpu.VMEM_SHARED((NP,), _f32),
        pltpu.VMEM_SHARED((NP,), _f32),
        pltpu.VMEM_SHARED((NP,), _f32),
    ],
)(_sc_body)


def _finalize_body(nt_ref, acc_ref, ng_ref,
                   wnn, wnin, bln, wrn, brn, wge, wgn, blg, wgg, wgnr, brg,
                   nout_ref, gout_ref, s_ref):
    i = pl.program_id(0)
    a12 = acc_ref[...]
    a = a12[0:6] + a12[6:12]
    iagg = a[0:2] / jnp.maximum(a[2:3], 1.0)
    n4 = jnp.maximum(
        lax.dot_general(nt_ref[...], wnn[...], (((0,), (0,)), ((), ())),
                        preferred_element_type=_f32)
        + lax.dot_general(iagg, wnin[...], (((0,), (0,)), ((), ())),
                          preferred_element_type=_f32)
        + bln[...], 0.0)
    n4 = jnp.minimum(n4, 1e30)
    n4 = jnp.where(n4 == n4, n4, 0.0)
    no = 1.0 / (1.0 + jnp.exp(-(jnp.dot(n4, wrn[...],
                                        preferred_element_type=_f32)
                                + brn[...])))
    nout_ref[...] = no

    ids = ng_ref[0]
    oh = (lax.broadcasted_iota(jnp.int32, (G, BF), 0) == ids).astype(_f32)
    xx = jnp.concatenate([n4, no, jnp.ones((BF, 1), _f32)], axis=1)
    c_a = jnp.dot(oh, xx, preferred_element_type=_f32)
    c_b = lax.dot_general(oh, a[3:6], (((1,), (1,)), ((), ())),
                          preferred_element_type=_f32)
    contrib = jnp.concatenate([c_a, c_b], axis=1)

    @pl.when(i == 0)
    def _():
        s_ref[...] = jnp.zeros_like(s_ref)

    s_ref[...] += contrib

    @pl.when(i == pl.num_programs(0) - 1)
    def _():
        s = s_ref[...]
        ncnt = jnp.maximum(s[:, 5:6], 1.0)
        ecnt = jnp.maximum(s[:, 8:9], 1.0)
        n_mean = s[:, 0:4] / ncnt
        nout_mean = s[:, 4:5] / ncnt
        e_mean = s[:, 6:8] / ecnt
        g1 = jnp.maximum(
            jnp.dot(e_mean, wge[...], preferred_element_type=_f32)
            + jnp.dot(n_mean, wgn[...], preferred_element_type=_f32)
            + blg[...], 0.0)
        z = (jnp.dot(g1, wgg[...], preferred_element_type=_f32)
             + jnp.dot(nout_mean, wgnr[...], preferred_element_type=_f32)
             + brg[...])
        gout_ref[...] = 1.0 / (1.0 + jnp.exp(-z))


def kernel(x, edge_attr, senders, receivers, node_graph,
           We1, be1, We2, be2, Wn1, bn1, Wn2, bn2, bg_enc,
           Wl_e_e, Wl_e_s, Wl_e_g, bl_e,
           Wl_n_n, Wl_n_in, Wl_n_g, bl_n,
           Wl_g_e, Wl_g_n, Wl_g_g, bl_g,
           Wr_n, br_n, Wr_g_g, Wr_g_n, br_g):
    g8 = jnp.maximum(bg_enc, 0.0)
    ble = (bl_e + g8 @ Wl_e_g).reshape(1, 2)
    bln = (bl_n + g8 @ Wl_n_g).reshape(1, 4)
    blg = (bl_g + g8 @ Wl_g_g).reshape(1, 1)

    nt, t0p, t1p = pl.pallas_call(
        _enc_node_body,
        grid=(49,),
        in_specs=[pl.BlockSpec((83, BN), lambda i: (0, i)),
                  _full((83, 64)), _full((64, 1)),
                  _full((64, 32)), _full((32, 1)),
                  _full((32, 2))],
        out_specs=[pl.BlockSpec((32, BN), lambda i: (0, i)),
                   pl.BlockSpec((BN,), lambda i: (i,)),
                   pl.BlockSpec((BN,), lambda i: (i,))],
        out_shape=[jax.ShapeDtypeStruct((32, NP), _f32),
                   jax.ShapeDtypeStruct((NP,), _f32),
                   jax.ShapeDtypeStruct((NP,), _f32)],
    )(x.T, Wn1, bn1.reshape(64, 1), Wn2, bn2.reshape(32, 1), Wl_e_s)

    ea0 = jnp.pad(edge_attr[:, 0], (0, EP - E))
    ea1 = jnp.pad(edge_attr[:, 1], (0, EP - E))
    ec0, ec1 = pl.pallas_call(
        _enc_edge_body,
        grid=(EP // BE,),
        in_specs=[pl.BlockSpec((BE,), lambda i: (i,)),
                  pl.BlockSpec((BE,), lambda i: (i,)),
                  _full((2, 4)), _full((1, 4)),
                  _full((4, 16)), _full((1, 16)),
                  _full((16, 2)), _full((1, 2))],
        out_specs=[pl.BlockSpec((BE,), lambda i: (i,)),
                   pl.BlockSpec((BE,), lambda i: (i,))],
        out_shape=[jax.ShapeDtypeStruct((EP,), _f32),
                   jax.ShapeDtypeStruct((EP,), _f32)],
    )(ea0, ea1, We1, be1.reshape(1, 4), We2, be2.reshape(1, 16),
      Wl_e_e, ble)

    zeros1 = jnp.zeros((NP,), _f32)
    ones1 = jnp.ones((CH,), _f32)
    accf = _sc_edge_phase(
        senders.astype(jnp.int32), receivers.astype(jnp.int32),
        ec0, ec1, t0p, t1p, zeros1, ones1)

    ngp = jnp.pad(node_graph.astype(jnp.int32), (0, NP - N),
                  constant_values=G)
    ng3 = ngp.reshape(NP // BF, 1, BF)
    n_out, g_out = pl.pallas_call(
        _finalize_body,
        grid=(NP // BF,),
        in_specs=[pl.BlockSpec((32, BF), lambda i: (0, i)),
                  pl.BlockSpec((12, BF), lambda i: (0, i)),
                  pl.BlockSpec((1, 1, BF), lambda i: (i, 0, 0)),
                  _full((32, 4)), _full((2, 4)), _full((1, 4)),
                  _full((4, 1)), _full((1, 1)),
                  _full((2, 1)), _full((4, 1)), _full((1, 1)),
                  _full((1, 1)), _full((1, 1)), _full((1, 1))],
        out_specs=[pl.BlockSpec((BF, 1), lambda i: (i, 0)),
                   pl.BlockSpec((G, 1), lambda i: (0, 0))],
        out_shape=[jax.ShapeDtypeStruct((N, 1), _f32),
                   jax.ShapeDtypeStruct((G, 1), _f32)],
        scratch_shapes=[pltpu.VMEM((G, 9), _f32)],
    )(nt, accf.reshape(12, NP), ng3,
      Wl_n_n, Wl_n_in, bln, Wr_n, br_n.reshape(1, 1),
      Wl_g_e, Wl_g_n, blg, Wr_g_g, Wr_g_n, br_g.reshape(1, 1))

    return (n_out, g_out)

# --- scband reference (transcript-rebuilt; emitter-appended) ---
"""Pipeline reference for scband-protein-gn-48533130444946 (READ-ONLY COPY).

The authoritative reference and input builder live on the scoring server;
editing this copy changes nothing except your own understanding.
"""

import jax, jax.numpy as jnp
import numpy as np

N = 50000
E = 800000
G = 64

def _w(key, i, o):
    return (jax.random.uniform(key, (i, o), jnp.float32) * 2.0 - 1.0) * float(np.sqrt(1.0 / i))

def _b(key, o):
    return (jax.random.uniform(key, (o,), jnp.float32) * 2.0 - 1.0) * 0.05

def setup_inputs(seed: int = 0) -> dict:
    key = jax.random.key(seed)
    ks = jax.random.split(key, 40)
    inp = {}
    inp["x"] = jax.random.normal(ks[0], (N, 83), jnp.float32)
    inp["edge_attr"] = jax.random.normal(ks[1], (E, 2), jnp.float32)
    inp["senders"] = jax.random.randint(ks[2], (E,), 0, N)
    inp["receivers"] = jax.random.randint(ks[3], (E,), 0, N)
    inp["node_graph"] = jnp.sort(jax.random.randint(ks[4], (N,), 0, G))
    # encoder params
    inp["We1"] = _w(ks[5], 2, 4);    inp["be1"] = _b(ks[6], 4)
    inp["We2"] = _w(ks[7], 4, 16);   inp["be2"] = _b(ks[8], 16)
    inp["Wn1"] = _w(ks[9], 83, 64);  inp["bn1"] = _b(ks[10], 64)
    inp["Wn2"] = _w(ks[11], 64, 32); inp["bn2"] = _b(ks[12], 32)
    inp["bg_enc"] = _b(ks[13], 8)
    # message-passing layer (layers=1): edge 16->2, node 32->4, global 8->1
    inp["Wl_e_e"] = _w(ks[14], 16, 2); inp["Wl_e_s"] = _w(ks[15], 32, 2); inp["Wl_e_g"] = _w(ks[16], 8, 2); inp["bl_e"] = _b(ks[17], 2)
    inp["Wl_n_n"] = _w(ks[18], 32, 4); inp["Wl_n_in"] = _w(ks[19], 2, 4); inp["Wl_n_g"] = _w(ks[20], 8, 4); inp["bl_n"] = _b(ks[21], 4)
    inp["Wl_g_e"] = _w(ks[22], 2, 1);  inp["Wl_g_n"] = _w(ks[23], 4, 1);  inp["Wl_g_g"] = _w(ks[24], 8, 1); inp["bl_g"] = _b(ks[25], 1)
    # readout
    inp["Wr_n"] = _w(ks[26], 4, 1);   inp["br_n"] = _b(ks[27], 1)
    inp["Wr_g_g"] = _w(ks[28], 1, 1); inp["Wr_g_n"] = _w(ks[29], 1, 1); inp["br_g"] = _b(ks[30], 1)
    return inp

def _segment_mean(data, seg, num):
    s = jax.ops.segment_sum(data, seg, num_segments=num)
    c = jax.ops.segment_sum(jnp.ones((data.shape[0], 1), data.dtype), seg, num_segments=num)
    return s / jnp.maximum(c, 1.0)

def reference(x, edge_attr, senders, receivers, node_graph,
              We1, be1, We2, be2, Wn1, bn1, Wn2, bn2, bg_enc,
              Wl_e_e, Wl_e_s, Wl_e_g, bl_e,
              Wl_n_n, Wl_n_in, Wl_n_g, bl_n,
              Wl_g_e, Wl_g_n, Wl_g_g, bl_g,
              Wr_n, br_n, Wr_g_g, Wr_g_n, br_g):
    # encoder (independent edge/node/global transforms)
    e = jax.nn.relu(edge_attr @ We1 + be1)
    e = jax.nn.relu(e @ We2 + be2)                       # [E, 16]
    n = jax.nn.relu(x @ Wn1 + bn1)
    n = jax.nn.relu(n @ Wn2 + bn2)                       # [N, 32]
    g = jax.nn.relu(jnp.broadcast_to(bg_enc, (G, 8)))    # bias-only GlobalLinear
    edge_graph = node_graph[senders]
    # message-passing layer 0
    e = jax.nn.relu(e @ Wl_e_e + n[senders] @ Wl_e_s + g[edge_graph] @ Wl_e_g + bl_e)   # [E, 2]
    in_agg = _segment_mean(e, receivers, N)                                             # mean of incoming edges
    n = jax.nn.relu(n @ Wl_n_n + in_agg @ Wl_n_in + g[node_graph] @ Wl_n_g + bl_n)      # [N, 4]
    e_mean = _segment_mean(e, edge_graph, G)
    n_mean = _segment_mean(n, node_graph, G)
    g = jax.nn.relu(e_mean @ Wl_g_e + n_mean @ Wl_g_n + g @ Wl_g_g + bl_g)              # [G, 1]
    # readout
    n_out = jax.nn.sigmoid(n @ Wr_n + br_n)                                             # [N, 1]
    g_out = jax.nn.sigmoid(g @ Wr_g_g + _segment_mean(n_out, node_graph, G) @ Wr_g_n + br_g)  # [G, 1]
    return (n_out, g_out)

if __name__ == "__main__":
    import jax
    _d = setup_inputs()
    print(jax.jit(kernel)(*tuple(_d.values())))

</pallas_src>

<mosaic_0001>
#map = affine_map<(d0, d1) -> (0)>
module attributes {stable_mosaic.version = 14 : i64} {
  func.func @_sc_body(%arg0: i32, %arg1: i32, %arg2: memref<800000xi32, #tpu.memory_space<hbm>>, %arg3: memref<800000xi32, #tpu.memory_space<hbm>>, %arg4: memref<819200xf32, #tpu.memory_space<hbm>>, %arg5: memref<819200xf32, #tpu.memory_space<hbm>>, %arg6: memref<51200xf32, #tpu.memory_space<hbm>>, %arg7: memref<51200xf32, #tpu.memory_space<hbm>>, %arg8: memref<51200xf32, #tpu.memory_space<hbm>>, %arg9: memref<2000xf32, #tpu.memory_space<hbm>>, %arg10: memref<614400xf32, #tpu.memory_space<hbm>>, %arg11: memref<2000xi32, #tpu.memory_space<vmem>>, %arg12: memref<2000xi32, #tpu.memory_space<vmem>>, %arg13: memref<2000xf32, #tpu.memory_space<vmem>>, %arg14: memref<2000xf32, #tpu.memory_space<vmem>>, %arg15: memref<2000xf32, #tpu.memory_space<vmem>>, %arg16: memref<2000xf32, #tpu.memory_space<vmem>>, %arg17: memref<2000xf32, #tpu.memory_space<vmem>>, %arg18: memref<3200xf32, #tpu.memory_space<vmem>>, %arg19: memref<!tpu.dma_semaphore, #tpu.memory_space<semaphore_mem>>, %arg20: memref<!tpu.dma_semaphore, #tpu.memory_space<semaphore_mem>>, %arg21: memref<!tpu.dma_semaphore, #tpu.memory_space<semaphore_mem>>, %arg22: memref<51200xf32, #tpu.memory_space<vmem_shared>>, %arg23: memref<51200xf32, #tpu.memory_space<vmem_shared>>, %arg24: memref<51200xf32, #tpu.memory_space<vmem_shared>>, %arg25: memref<51200xf32, #tpu.memory_space<vmem_shared>>, %arg26: memref<51200xf32, #tpu.memory_space<vmem_shared>>, %arg27: memref<51200xf32, #tpu.memory_space<vmem_shared>>, %arg28: memref<51200xf32, #tpu.memory_space<vmem_shared>>, %arg29: memref<51200xf32, #tpu.memory_space<vmem_shared>>) attributes {dimension_semantics = [#tpu.dimension_semantics<core_parallel>, #tpu.dimension_semantics<subcore_parallel>], iteration_bounds = array<i64: 2, 16>, scalar_prefetch = 0 : i64, scratch_operands = 19 : i64, tpu.core_type = #tpu.core_type<sc_vector_subcore>, window_params = [{transform_indices = #map}, {transform_indices = #map}, {transform_indices = #map}, {transform_indices = #map}, {transform_indices = #map}, {transform_indices = #map}, {transform_indices = #map}, {transform_indices = #map}, {transform_indices = #map}]} {
    %mul3A = arith.constant 2 : i32
    %mul3A_0 = arith.muli %arg1, %mul3A : i32
    %add3A = arith.addi %mul3A_0, %arg0 : i32
    %mul3A_1 = arith.constant 3200 : i32
    %mul3A_2 = arith.muli %arg1, %mul3A_1 : i32
    "tpu.region"() ({
      %run_scoped3A = tpu.sem_alloc : memref<!tpu.dma_semaphore, #tpu.memory_space<semaphore_mem>>
      %dma_start3A = tpu.memref_slice %arg6[%mul3A_2] : memref<51200xf32, #tpu.memory_space<hbm>> -> memref<3200xf32, #tpu.memory_space<hbm>>
      %dma_start3A_65 = tpu.memref_slice %arg6[%mul3A_2] : memref<51200xf32, #tpu.memory_space<hbm>> -> memref<3200xf32, #tpu.memory_space<hbm>>
      tpu.enqueue_dma source(%dma_start3A_65 : memref<3200xf32, #tpu.memory_space<hbm>>) target(%arg18 : memref<3200xf32, #tpu.memory_space<vmem>>) target_semaphore(%run_scoped3A : memref<!tpu.dma_semaphore, #tpu.memory_space<semaphore_mem>>)
      %dma_wait3A = tpu.memref_slice %arg6[%mul3A_2] : memref<51200xf32, #tpu.memory_space<hbm>> -> memref<3200xf32, #tpu.memory_space<hbm>>
      %dma_wait3A_66 = tpu.memref_slice %arg6[%mul3A_2] : memref<51200xf32, #tpu.memory_space<hbm>> -> memref<3200xf32, #tpu.memory_space<hbm>>
      tpu.wait_dma2 semaphore(%run_scoped3A : memref<!tpu.dma_semaphore, #tpu.memory_space<semaphore_mem>>) src(%dma_wait3A_66 : memref<3200xf32, #tpu.memory_space<hbm>>) dst(%arg18 : memref<3200xf32, #tpu.memory_space<vmem>>)
      tpu.yield
    }) : () -> ()
    "tpu.region"() ({
      %run_scoped3A = tpu.sem_alloc : memref<!tpu.dma_semaphore, #tpu.memory_space<semaphore_mem>>
      %dma_start3A = tpu.memref_slice %arg22[%mul3A_2] : memref<51200xf32, #tpu.memory_space<vmem_shared>> -> memref<3200xf32, #tpu.memory_space<vmem_shared>>
      %dma_start3A_65 = tpu.memref_slice %arg22[%mul3A_2] : memref<51200xf32, #tpu.memory_space<vmem_shared>> -> memref<3200xf32, #tpu.memory_space<vmem_shared>>
      tpu.enqueue_dma source(%arg18 : memref<3200xf32, #tpu.memory_space<vmem>>) target(%dma_start3A_65 : memref<3200xf32, #tpu.memory_space<vmem_shared>>) target_semaphore(%run_scoped3A : memref<!tpu.dma_semaphore, #tpu.memory_space<semaphore_mem>>)
      %dma_wait3A = tpu.memref_slice %arg22[%mul3A_2] : memref<51200xf32, #tpu.memory_space<vmem_shared>> -> memref<3200xf32, #tpu.memory_space<vmem_shared>>
      %dma_wait3A_66 = tpu.memref_slice %arg22[%mul3A_2] : memref<51200xf32, #tpu.memory_space<vmem_shared>> -> memref<3200xf32, #tpu.memory_space<vmem_shared>>
      tpu.wait_dma2 semaphore(%run_scoped3A : memref<!tpu.dma_semaphore, #tpu.memory_space<semaphore_mem>>) src(%arg18 : memref<3200xf32, #tpu.memory_space<vmem>>) dst(%dma_wait3A_66 : memref<3200xf32, #tpu.memory_space<vmem_shared>>)
      tpu.yield
    }) : () -> ()
    "tpu.region"() ({
      %run_scoped3A = tpu.sem_alloc : memref<!tpu.dma_semaphore, #tpu.memory_space<semaphore_mem>>
      %dma_start3A = tpu.memref_slice %arg7[%mul3A_2] : memref<51200xf32, #tpu.memory_space<hbm>> -> memref<3200xf32, #tpu.memory_space<hbm>>
      %dma_start3A_65 = tpu.memref_slice %arg7[%mul3A_2] : memref<51200xf32, #tpu.memory_space<hbm>> -> memref<3200xf32, #tpu.memory_space<hbm>>
      tpu.enqueue_dma source(%dma_start3A_65 : memref<3200xf32, #tpu.memory_space<hbm>>) target(%arg18 : memref<3200xf32, #tpu.memory_space<vmem>>) target_semaphore(%run_scoped3A : memref<!tpu.dma_semaphore, #tpu.memory_space<semaphore_mem>>)
      %dma_wait3A = tpu.memref_slice %arg7[%mul3A_2] : memref<51200xf32, #tpu.memory_space<hbm>> -> memref<3200xf32, #tpu.memory_space<hbm>>
      %dma_wait3A_66 = tpu.memref_slice %arg7[%mul3A_2] : memref<51200xf32, #tpu.memory_space<hbm>> -> memref<3200xf32, #tpu.memory_space<hbm>>
      tpu.wait_dma2 semaphore(%run_scoped3A : memref<!tpu.dma_semaphore, #tpu.memory_space<semaphore_mem>>) src(%dma_wait3A_66 : memref<3200xf32, #tpu.memory_space<hbm>>) dst(%arg18 : memref<3200xf32, #tpu.memory_space<vmem>>)
      tpu.yield
    }) : () -> ()
    "tpu.region"() ({
      %run_scoped3A = tpu.sem_alloc : memref<!tpu.dma_semaphore, #tpu.memory_space<semaphore_mem>>
      %dma_start3A = tpu.memref_slice %arg23[%mul3A_2] : memref<51200xf32, #tpu.memory_space<vmem_shared>> -> memref<3200xf32, #tpu.memory_space<vmem_shared>>
      %dma_start3A_65 = tpu.memref_slice %arg23[%mul3A_2] : memref<51200xf32, #tpu.memory_space<vmem_shared>> -> memref<3200xf32, #tpu.memory_space<vmem_shared>>
      tpu.enqueue_dma source(%arg18 : memref<3200xf32, #tpu.memory_space<vmem>>) target(%dma_start3A_65 : memref<3200xf32, #tpu.memory_space<vmem_shared>>) target_semaphore(%run_scoped3A : memref<!tpu.dma_semaphore, #tpu.memory_space<semaphore_mem>>)
      %dma_wait3A = tpu.memref_slice %arg23[%mul3A_2] : memref<51200xf32, #tpu.memory_space<vmem_shared>> -> memref<3200xf32, #tpu.memory_space<vmem_shared>>
      %dma_wait3A_66 = tpu.memref_slice %arg23[%mul3A_2] : memref<51200xf32, #tpu.memory_space<vmem_shared>> -> memref<3200xf32, #tpu.memory_space<vmem_shared>>
      tpu.wait_dma2 semaphore(%run_scoped3A : memref<!tpu.dma_semaphore, #tpu.memory_space<semaphore_mem>>) src(%arg18 : memref<3200xf32, #tpu.memory_space<vmem>>) dst(%dma_wait3A_66 : memref<3200xf32, #tpu.memory_space<vmem_shared>>)
      tpu.yield
    }) : () -> ()
    "tpu.region"() ({
      %run_scoped3A = tpu.sem_alloc : memref<!tpu.dma_semaphore, #tpu.memory_space<semaphore_mem>>
      %dma_start3A = tpu.memref_slice %arg8[%mul3A_2] : memref<51200xf32, #tpu.memory_space<hbm>> -> memref<3200xf32, #tpu.memory_space<hbm>>
      %dma_start3A_65 = tpu.memref_slice %arg8[%mul3A_2] : memref<51200xf32, #tpu.memory_space<hbm>> -> memref<3200xf32, #tpu.memory_space<hbm>>
      tpu.enqueue_dma source(%dma_start3A_65 : memref<3200xf32, #tpu.memory_space<hbm>>) target(%arg18 : memref<3200xf32, #tpu.memory_space<vmem>>) target_semaphore(%run_scoped3A : memref<!tpu.dma_semaphore, #tpu.memory_space<semaphore_mem>>)
      %dma_wait3A = tpu.memref_slice %arg8[%mul3A_2] : memref<51200xf32, #tpu.memory_space<hbm>> -> memref<3200xf32, #tpu.memory_space<hbm>>
      %dma_wait3A_66 = tpu.memref_slice %arg8[%mul3A_2] : memref<51200xf32, #tpu.memory_space<hbm>> -> memref<3200xf32, #tpu.memory_space<hbm>>
      tpu.wait_dma2 semaphore(%run_scoped3A : memref<!tpu.dma_semaphore, #tpu.memory_space<semaphore_mem>>) src(%dma_wait3A_66 : memref<3200xf32, #tpu.memory_space<hbm>>) dst(%arg18 : memref<3200xf32, #tpu.memory_space<vmem>>)
      tpu.yield
    }) : () -> ()
    "tpu.region"() ({
      %run_scoped3A = tpu.sem_alloc : memref<!tpu.dma_semaphore, #tpu.memory_space<semaphore_mem>>
      %dma_start3A = tpu.memref_slice %arg24[%mul3A_2] : memref<51200xf32, #tpu.memory_space<vmem_shared>> -> memref<3200xf32, #tpu.memory_space<vmem_shared>>
      %dma_start3A_65 = tpu.memref_slice %arg24[%mul3A_2] : memref<51200xf32, #tpu.memory_space<vmem_shared>> -> memref<3200xf32, #tpu.memory_space<vmem_shared>>
      tpu.enqueue_dma source(%arg18 : memref<3200xf32, #tpu.memory_space<vmem>>) target(%dma_start3A_65 : memref<3200xf32, #tpu.memory_space<vmem_shared>>) target_semaphore(%run_scoped3A : memref<!tpu.dma_semaphore, #tpu.memory_space<semaphore_mem>>)
      %dma_wait3A = tpu.memref_slice %arg24[%mul3A_2] : memref<51200xf32, #tpu.memory_space<vmem_shared>> -> memref<3200xf32, #tpu.memory_space<vmem_shared>>
      %dma_wait3A_66 = tpu.memref_slice %arg24[%mul3A_2] : memref<51200xf32, #tpu.memory_space<vmem_shared>> -> memref<3200xf32, #tpu.memory_space<vmem_shared>>
      tpu.wait_dma2 semaphore(%run_scoped3A : memref<!tpu.dma_semaphore, #tpu.memory_space<semaphore_mem>>) src(%arg18 : memref<3200xf32, #tpu.memory_space<vmem>>) dst(%dma_wait3A_66 : memref<3200xf32, #tpu.memory_space<vmem_shared>>)
      tpu.yield
    }) : () -> ()
    "tpu.region"() ({
      %run_scoped3A = tpu.sem_alloc : memref<!tpu.dma_semaphore, #tpu.memory_space<semaphore_mem>>
      %dma_start3A = tpu.memref_slice %arg25[%mul3A_2] : memref<51200xf32, #tpu.memory_space<vmem_shared>> -> memref<3200xf32, #tpu.memory_space<vmem_shared>>
      %dma_start3A_65 = tpu.memref_slice %arg25[%mul3A_2] : memref<51200xf32, #tpu.memory_space<vmem_shared>> -> memref<3200xf32, #tpu.memory_space<vmem_shared>>
      tpu.enqueue_dma source(%arg18 : memref<3200xf32, #tpu.memory_space<vmem>>) target(%dma_start3A_65 : memref<3200xf32, #tpu.memory_space<vmem_shared>>) target_semaphore(%run_scoped3A : memref<!tpu.dma_semaphore, #tpu.memory_space<semaphore_mem>>)
      %dma_wait3A = tpu.memref_slice %arg25[%mul3A_2] : memref<51200xf32, #tpu.memory_space<vmem_shared>> -> memref<3200xf32, #tpu.memory_space<vmem_shared>>
      %dma_wait3A_66 = tpu.memref_slice %arg25[%mul3A_2] : memref<51200xf32, #tpu.memory_space<vmem_shared>> -> memref<3200xf32, #tpu.memory_space<vmem_shared>>
      tpu.wait_dma2 semaphore(%run_scoped3A : memref<!tpu.dma_semaphore, #tpu.memory_space<semaphore_mem>>) src(%arg18 : memref<3200xf32, #tpu.memory_space<vmem>>) dst(%dma_wait3A_66 : memref<3200xf32, #tpu.memory_space<vmem_shared>>)
      tpu.yield
    }) : () -> ()
    "tpu.region"() ({
      %run_scoped3A = tpu.sem_alloc : memref<!tpu.dma_semaphore, #tpu.memory_space<semaphore_mem>>
      %dma_start3A = tpu.memref_slice %arg26[%mul3A_2] : memref<51200xf32, #tpu.memory_space<vmem_shared>> -> memref<3200xf32, #tpu.memory_space<vmem_shared>>
      %dma_start3A_65 = tpu.memref_slice %arg26[%mul3A_2] : memref<51200xf32, #tpu.memory_space<vmem_shared>> -> memref<3200xf32, #tpu.memory_space<vmem_shared>>
      tpu.enqueue_dma source(%arg18 : memref<3200xf32, #tpu.memory_space<vmem>>) target(%dma_start3A_65 : memref<3200xf32, #tpu.memory_space<vmem_shared>>) target_semaphore(%run_scoped3A : memref<!tpu.dma_semaphore, #tpu.memory_space<semaphore_mem>>)
      %dma_wait3A = tpu.memref_slice %arg26[%mul3A_2] : memref<51200xf32, #tpu.memory_space<vmem_shared>> -> memref<3200xf32, #tpu.memory_space<vmem_shared>>
      %dma_wait3A_66 = tpu.memref_slice %arg26[%mul3A_2] : memref<51200xf32, #tpu.memory_space<vmem_shared>> -> memref<3200xf32, #tpu.memory_space<vmem_shared>>
      tpu.wait_dma2 semaphore(%run_scoped3A : memref<!tpu.dma_semaphore, #tpu.memory_space<semaphore_mem>>) src(%arg18 : memref<3200xf32, #tpu.memory_space<vmem>>) dst(%dma_wait3A_66 : memref<3200xf32, #tpu.memory_space<vmem_shared>>)
      tpu.yield
    }) : () -> ()
    "tpu.region"() ({
      %run_scoped3A = tpu.sem_alloc : memref<!tpu.dma_semaphore, #tpu.memory_space<semaphore_mem>>
      %dma_start3A = tpu.memref_slice %arg27[%mul3A_2] : memref<51200xf32, #tpu.memory_space<vmem_shared>> -> memref<3200xf32, #tpu.memory_space<vmem_shared>>
      %dma_start3A_65 = tpu.memref_slice %arg27[%mul3A_2] : memref<51200xf32, #tpu.memory_space<vmem_shared>> -> memref<3200xf32, #tpu.memory_space<vmem_shared>>
      tpu.enqueue_dma source(%arg18 : memref<3200xf32, #tpu.memory_space<vmem>>) target(%dma_start3A_65 : memref<3200xf32, #tpu.memory_space<vmem_shared>>) target_semaphore(%run_scoped3A : memref<!tpu.dma_semaphore, #tpu.memory_space<semaphore_mem>>)
      %dma_wait3A = tpu.memref_slice %arg27[%mul3A_2] : memref<51200xf32, #tpu.memory_space<vmem_shared>> -> memref<3200xf32, #tpu.memory_space<vmem_shared>>
      %dma_wait3A_66 = tpu.memref_slice %arg27[%mul3A_2] : memref<51200xf32, #tpu.memory_space<vmem_shared>> -> memref<3200xf32, #tpu.memory_space<vmem_shared>>
      tpu.wait_dma2 semaphore(%run_scoped3A : memref<!tpu.dma_semaphore, #tpu.memory_space<semaphore_mem>>) src(%arg18 : memref<3200xf32, #tpu.memory_space<vmem>>) dst(%dma_wait3A_66 : memref<3200xf32, #tpu.memory_space<vmem_shared>>)
      tpu.yield
    }) : () -> ()
    "tpu.region"() ({
      %run_scoped3A = tpu.sem_alloc : memref<!tpu.dma_semaphore, #tpu.memory_space<semaphore_mem>>
      %dma_start3A = tpu.memref_slice %arg28[%mul3A_2] : memref<51200xf32, #tpu.memory_space<vmem_shared>> -> memref<3200xf32, #tpu.memory_space<vmem_shared>>
      %dma_start3A_65 = tpu.memref_slice %arg28[%mul3A_2] : memref<51200xf32, #tpu.memory_space<vmem_shared>> -> memref<3200xf32, #tpu.memory_space<vmem_shared>>
      tpu.enqueue_dma source(%arg18 : memref<3200xf32, #tpu.memory_space<vmem>>) target(%dma_start3A_65 : memref<3200xf32, #tpu.memory_space<vmem_shared>>) target_semaphore(%run_scoped3A : memref<!tpu.dma_semaphore, #tpu.memory_space<semaphore_mem>>)
      %dma_wait3A = tpu.memref_slice %arg28[%mul3A_2] : memref<51200xf32, #tpu.memory_space<vmem_shared>> -> memref<3200xf32, #tpu.memory_space<vmem_shared>>
      %dma_wait3A_66 = tpu.memref_slice %arg28[%mul3A_2] : memref<51200xf32, #tpu.memory_space<vmem_shared>> -> memref<3200xf32, #tpu.memory_space<vmem_shared>>
      tpu.wait_dma2 semaphore(%run_scoped3A : memref<!tpu.dma_semaphore, #tpu.memory_space<semaphore_mem>>) src(%arg18 : memref<3200xf32, #tpu.memory_space<vmem>>) dst(%dma_wait3A_66 : memref<3200xf32, #tpu.memory_space<vmem_shared>>)
      tpu.yield
    }) : () -> ()
    "tpu.region"() ({
      %run_scoped3A = tpu.sem_alloc : memref<!tpu.dma_semaphore, #tpu.memory_space<semaphore_mem>>
      %dma_start3A = tpu.memref_slice %arg29[%mul3A_2] : memref<51200xf32, #tpu.memory_space<vmem_shared>> -> memref<3200xf32, #tpu.memory_space<vmem_shared>>
      %dma_start3A_65 = tpu.memref_slice %arg29[%mul3A_2] : memref<51200xf32, #tpu.memory_space<vmem_shared>> -> memref<3200xf32, #tpu.memory_space<vmem_shared>>
      tpu.enqueue_dma source(%arg18 : memref<3200xf32, #tpu.memory_space<vmem>>) target(%dma_start3A_65 : memref<3200xf32, #tpu.memory_space<vmem_shared>>) target_semaphore(%run_scoped3A : memref<!tpu.dma_semaphore, #tpu.memory_space<semaphore_mem>>)
      %dma_wait3A = tpu.memref_slice %arg29[%mul3A_2] : memref<51200xf32, #tpu.memory_space<vmem_shared>> -> memref<3200xf32, #tpu.memory_space<vmem_shared>>
      %dma_wait3A_66 = tpu.memref_slice %arg29[%mul3A_2] : memref<51200xf32, #tpu.memory_space<vmem_shared>> -> memref<3200xf32, #tpu.memory_space<vmem_shared>>
      tpu.wait_dma2 semaphore(%run_scoped3A : memref<!tpu.dma_semaphore, #tpu.memory_space<semaphore_mem>>) src(%arg18 : memref<3200xf32, #tpu.memory_space<vmem>>) dst(%dma_wait3A_66 : memref<3200xf32, #tpu.memory_space<vmem_shared>>)
      tpu.yield
    }) : () -> ()
    "tpu.region"() ({
      %run_scoped3A = tpu.sem_alloc : memref<!tpu.dma_semaphore, #tpu.memory_space<semaphore_mem>>
      tpu.enqueue_dma source(%arg9 : memref<2000xf32, #tpu.memory_space<hbm>>) target(%arg17 : memref<2000xf32, #tpu.memory_space<vmem>>) target_semaphore(%run_scoped3A : memref<!tpu.dma_semaphore, #tpu.memory_space<semaphore_mem>>)
      tpu.wait_dma2 semaphore(%run_scoped3A : memref<!tpu.dma_semaphore, #tpu.memory_space<semaphore_mem>>) src(%arg9 : memref<2000xf32, #tpu.memory_space<hbm>>) dst(%arg17 : memref<2000xf32, #tpu.memory_space<vmem>>)
      tpu.yield
    }) : () -> ()
    %barrier3A = arith.constant 0 : index
    tpu.barrier barrier_id(%barrier3A)
    %sub3A = arith.constant 400 : i32
    %sub3A_3 = arith.subi %sub3A, %add3A : i32
    %add3A_4 = arith.constant 32 : i32
    %add3A_5 = arith.addi %sub3A_3, %add3A_4 : i32
    %sub3A_6 = arith.constant 1 : i32
    %sub3A_7 = arith.subi %add3A_5, %sub3A_6 : i32
    %jit3A = arith.constant 32 : i32
    %div3A = arith.divsi %sub3A_7, %jit3A : i32
    %sign3A = arith.constant 0 : i32
    %sign3A_8 = arith.cmpi sgt, %sub3A_7, %sign3A : i32
    %sign3A_9 = arith.extui %sign3A_8 : i1 to i32
    %sign3A_10 = arith.constant 0 : i32
    %sign3A_11 = arith.cmpi slt, %sub3A_7, %sign3A_10 : i32
    %sign3A_12 = arith.extui %sign3A_11 : i1 to i32
    %sign3A_13 = arith.subi %sign3A_9, %sign3A_12 : i32
    %sign3A_14 = arith.constant 0 : i32
    %sign3A_15 = arith.cmpi sgt, %jit3A, %sign3A_14 : i32
    %sign3A_16 = arith.extui %sign3A_15 : i1 to i32
    %sign3A_17 = arith.constant 0 : i32
    %sign3A_18 = arith.cmpi slt, %jit3A, %sign3A_17 : i32
    %sign3A_19 = arith.extui %sign3A_18 : i1 to i32
    %sign3A_20 = arith.subi %sign3A_16, %sign3A_19 : i32
    %ne3A = arith.cmpi ne, %sign3A_13, %sign3A_20 : i32
    %rem3A = arith.remsi %sub3A_7, %jit3A : i32
    %ne3A_21 = arith.constant 0 : i32
    %ne3A_22 = arith.cmpi ne, %rem3A, %ne3A_21 : i32
    %and3A = arith.andi %ne3A, %ne3A_22 : i1
    %sub3A_23 = arith.constant 1 : i32
    %sub3A_24 = arith.subi %div3A, %sub3A_23 : i32
    %select_n3A = arith.select %and3A, %sub3A_24, %div3A : i32
    %while3A = arith.constant 0 : i32
    %while3A_25 = arith.constant 0 : i32
    %while3A_26 = arith.subi %select_n3A, %while3A_25 : i32
    %while3A_27 = arith.addi %while3A_25, %while3A_26 : i32
    %while3A_28 = arith.constant 1 : i32
    %while3A_29 = arith.divsi %while3A_26, %while3A_28 : i32
    %while3A_30 = arith.muli %while3A_29, %while3A_28 : i32
    %while3A_31 = arith.addi %while3A_25, %while3A_30 : i32
    %while3A_32 = arith.constant 1 : i32
    scf.for %while3A_65 = %while3A_25 to %while3A_31 step %while3A_32  : i32 {
      %mul3A_66 = arith.constant 32 : i32
      %mul3A_67 = arith.muli %while3A_65, %mul3A_66 : i32
      %add3A_68 = arith.addi %add3A, %mul3A_67 : i32
      %mul3A_69 = arith.constant 2000 : i32
      %mul3A_70 = arith.muli %add3A_68, %mul3A_69 : i32
      %dma_start3A = tpu.memref_slice %arg2[%mul3A_70] : memref<800000xi32, #tpu.memory_space<hbm>> -> memref<2000xi32, #tpu.memory_space<hbm>>
      %dma_start3A_71 = tpu.memref_slice %arg2[%mul3A_70] : memref<800000xi32, #tpu.memory_space<hbm>> -> memref<2000xi32, #tpu.memory_space<hbm>>
      tpu.enqueue_dma source(%dma_start3A_71 : memref<2000xi32, #tpu.memory_space<hbm>>) target(%arg11 : memref<2000xi32, #tpu.memory_space<vmem>>) target_semaphore(%arg19 : memref<!tpu.dma_semaphore, #tpu.memory_space<semaphore_mem>>)
      %dma_start3A_72 = tpu.memref_slice %arg3[%mul3A_70] : memref<800000xi32, #tpu.memory_space<hbm>> -> memref<2000xi32, #tpu.memory_space<hbm>>
      %dma_start3A_73 = tpu.memref_slice %arg3[%mul3A_70] : memref<800000xi32, #tpu.memory_space<hbm>> -> memref<2000xi32, #tpu.memory_space<hbm>>
      tpu.enqueue_dma source(%dma_start3A_73 : memref<2000xi32, #tpu.memory_space<hbm>>) target(%arg12 : memref<2000xi32, #tpu.memory_space<vmem>>) target_semaphore(%arg19 : memref<!tpu.dma_semaphore, #tpu.memory_space<semaphore_mem>>)
      %dma_start3A_74 = tpu.memref_slice %arg4[%mul3A_70] : memref<819200xf32, #tpu.memory_space<hbm>> -> memref<2000xf32, #tpu.memory_space<hbm>>
      %dma_start3A_75 = tpu.memref_slice %arg4[%mul3A_70] : memref<819200xf32, #tpu.memory_space<hbm>> -> memref<2000xf32, #tpu.memory_space<hbm>>
      tpu.enqueue_dma source(%dma_start3A_75 : memref<2000xf32, #tpu.memory_space<hbm>>) target(%arg13 : memref<2000xf32, #tpu.memory_space<vmem>>) target_semaphore(%arg19 : memref<!tpu.dma_semaphore, #tpu.memory_space<semaphore_mem>>)
      %dma_start3A_76 = tpu.memref_slice %arg5[%mul3A_70] : memref<819200xf32, #tpu.memory_space<hbm>> -> memref<2000xf32, #tpu.memory_space<hbm>>
      %dma_start3A_77 = tpu.memref_slice %arg5[%mul3A_70] : memref<819200xf32, #tpu.memory_space<hbm>> -> memref<2000xf32, #tpu.memory_space<hbm>>
      tpu.enqueue_dma source(%dma_start3A_77 : memref<2000xf32, #tpu.memory_space<hbm>>) target(%arg14 : memref<2000xf32, #tpu.memory_space<vmem>>) target_semaphore(%arg19 : memref<!tpu.dma_semaphore, #tpu.memory_space<semaphore_mem>>)
      %dma_wait3A = tpu.memref_slice %arg2[%mul3A_70] : memref<800000xi32, #tpu.memory_space<hbm>> -> memref<2000xi32, #tpu.memory_space<hbm>>
      %dma_wait3A_78 = tpu.memref_slice %arg2[%mul3A_70] : memref<800000xi32, #tpu.memory_space<hbm>> -> memref<2000xi32, #tpu.memory_space<hbm>>
      tpu.wait_dma2 semaphore(%arg19 : memref<!tpu.dma_semaphore, #tpu.memory_space<semaphore_mem>>) src(%dma_wait3A_78 : memref<2000xi32, #tpu.memory_space<hbm>>) dst(%arg11 : memref<2000xi32, #tpu.memory_space<vmem>>)
      %dma_start3A_79 = arith.constant 0 : i32
      %dma_start3A_80 = tpu.memref_slice %arg22[%dma_start3A_79] : memref<51200xf32, #tpu.memory_space<vmem_shared>> -> memref<51200xf32, #tpu.memory_space<vmem_shared>>
      tpu.enqueue_indirect_dma source(%dma_start3A_80 : memref<51200xf32, #tpu.memory_space<vmem_shared>>) target(%arg15 : memref<2000xf32, #tpu.memory_space<vmem>>) offsets(%arg11 : memref<2000xi32, #tpu.memory_space<vmem>>) semaphore(%arg20 : memref<!tpu.dma_semaphore, #tpu.memory_space<semaphore_mem>>)
      %dma_start3A_81 = arith.constant 0 : i32
      %dma_start3A_82 = tpu.memref_slice %arg23[%dma_start3A_81] : memref<51200xf32, #tpu.memory_space<vmem_shared>> -> memref<51200xf32, #tpu.memory_space<vmem_shared>>
      tpu.enqueue_indirect_dma source(%dma_start3A_82 : memref<51200xf32, #tpu.memory_space<vmem_shared>>) target(%arg16 : memref<2000xf32, #tpu.memory_space<vmem>>) offsets(%arg11 : memref<2000xi32, #tpu.memory_space<vmem>>) semaphore(%arg20 : memref<!tpu.dma_semaphore, #tpu.memory_space<semaphore_mem>>)
      %dma_wait3A_83 = tpu.memref_slice %arg3[%mul3A_70] : memref<800000xi32, #tpu.memory_space<hbm>> -> memref<2000xi32, #tpu.memory_space<hbm>>
      %dma_wait3A_84 = tpu.memref_slice %arg3[%mul3A_70] : memref<800000xi32, #tpu.memory_space<hbm>> -> memref<2000xi32, #tpu.memory_space<hbm>>
      tpu.wait_dma2 semaphore(%arg19 : memref<!tpu.dma_semaphore, #tpu.memory_space<semaphore_mem>>) src(%dma_wait3A_84 : memref<2000xi32, #tpu.memory_space<hbm>>) dst(%arg12 : memref<2000xi32, #tpu.memory_space<vmem>>)
      %dma_wait3A_85 = tpu.memref_slice %arg4[%mul3A_70] : memref<819200xf32, #tpu.memory_space<hbm>> -> memref<2000xf32, #tpu.memory_space<hbm>>
      %dma_wait3A_86 = tpu.memref_slice %arg4[%mul3A_70] : memref<819200xf32, #tpu.memory_space<hbm>> -> memref<2000xf32, #tpu.memory_space<hbm>>
      tpu.wait_dma2 semaphore(%arg19 : memref<!tpu.dma_semaphore, #tpu.memory_space<semaphore_mem>>) src(%dma_wait3A_86 : memref<2000xf32, #tpu.memory_space<hbm>>) dst(%arg13 : memref<2000xf32, #tpu.memory_space<vmem>>)
      %dma_wait3A_87 = tpu.memref_slice %arg5[%mul3A_70] : memref<819200xf32, #tpu.memory_space<hbm>> -> memref<2000xf32, #tpu.memory_space<hbm>>
      %dma_wait3A_88 = tpu.memref_slice %arg5[%mul3A_70] : memref<819200xf32, #tpu.memory_space<hbm>> -> memref<2000xf32, #tpu.memory_space<hbm>>
      tpu.wait_dma2 semaphore(%arg19 : memref<!tpu.dma_semaphore, #tpu.memory_space<semaphore_mem>>) src(%dma_wait3A_88 : memref<2000xf32, #tpu.memory_space<hbm>>) dst(%arg14 : memref<2000xf32, #tpu.memory_space<vmem>>)
      %dma_wait3A_89 = arith.constant 0 : i32
      %dma_wait3A_90 = tpu.memref_slice %arg22[%dma_wait3A_89] : memref<51200xf32, #tpu.memory_space<vmem_shared>> -> memref<51200xf32, #tpu.memory_space<vmem_shared>>
      tpu.wait_indirect_dma semaphore(%arg20 : memref<!tpu.dma_semaphore, #tpu.memory_space<semaphore_mem>>) src(%dma_wait3A_90 : memref<51200xf32, #tpu.memory_space<vmem_shared>>) dst(%arg15 : memref<2000xf32, #tpu.memory_space<vmem>>)
      %dma_wait3A_91 = arith.constant 0 : i32
      %dma_wait3A_92 = tpu.memref_slice %arg23[%dma_wait3A_91] : memref<51200xf32, #tpu.memory_space<vmem_shared>> -> memref<51200xf32, #tpu.memory_space<vmem_shared>>
      tpu.wait_indirect_dma semaphore(%arg20 : memref<!tpu.dma_semaphore, #tpu.memory_space<semaphore_mem>>) src(%dma_wait3A_92 : memref<51200xf32, #tpu.memory_space<vmem_shared>>) dst(%arg16 : memref<2000xf32, #tpu.memory_space<vmem>>)
      %scan3A = arith.constant 0 : i32
      %scan3A_93 = arith.constant 0 : i32
      %scan3A_94 = arith.constant 125 : i32
      %scan3A_95 = arith.addi %scan3A_93, %scan3A_94 : i32
      %scan3A_96 = arith.constant 1 : i32
      scf.for %scan3A_122 = %scan3A_93 to %scan3A_95 step %scan3A_96  : i32 {
        %mul3A_123 = arith.constant 16 : i32
        %mul3A_124 = arith.muli %mul3A_123, %scan3A_122 : i32
        %get3A = arith.index_cast %mul3A_124 : i32 to index
        %get3A_125 = tpu.vector_load %arg13[%get3A] {strides = array<i32>} : memref<2000xf32, #tpu.memory_space<vmem>>, vector<16xf32>,
        %get3A_126 = vector.shape_cast %get3A_125 : vector<16xf32> to vector<16xf32>
        %get3A_127 = arith.index_cast %mul3A_124 : i32 to index
        %get3A_128 = tpu.vector_load %arg15[%get3A_127] {strides = array<i32>} : memref<2000xf32, #tpu.memory_space<vmem>>, vector<16xf32>,
        %get3A_129 = vector.shape_cast %get3A_128 : vector<16xf32> to vector<16xf32>
        %add3A_130 = arith.addf %get3A_126, %get3A_129 : vector<16xf32>
        %max3A = arith.constant 0.000000e+00 : f32
        %max3A_131 = vector.broadcast %max3A : f32 to vector<16xf32>
        %max3A_132 = arith.maximumf %add3A_130, %max3A_131 : vector<16xf32>
        %swap3A = arith.index_cast %mul3A_124 : i32 to index
        %swap3A_133 = tpu.vector_load %arg13[%swap3A] {strides = array<i32>} : memref<2000xf32, #tpu.memory_space<vmem>>, vector<16xf32>,
        %swap3A_134 = vector.shape_cast %swap3A_133 : vector<16xf32> to vector<16xf32>
        %swap3A_135 = vector.shape_cast %max3A_132 : vector<16xf32> to vector<16xf32>
        tpu.vector_store %arg13[%swap3A], %swap3A_135 {strides = array<i32>} : memref<2000xf32, #tpu.memory_space<vmem>>, vector<16xf32>,
        %get3A_136 = arith.index_cast %mul3A_124 : i32 to index
        %get3A_137 = tpu.vector_load %arg14[%get3A_136] {strides = array<i32>} : memref<2000xf32, #tpu.memory_space<vmem>>, vector<16xf32>,
        %get3A_138 = vector.shape_cast %get3A_137 : vector<16xf32> to vector<16xf32>
        %get3A_139 = arith.index_cast %mul3A_124 : i32 to index
        %get3A_140 = tpu.vector_load %arg16[%get3A_139] {strides = array<i32>} : memref<2000xf32, #tpu.memory_space<vmem>>, vector<16xf32>,
        %get3A_141 = vector.shape_cast %get3A_140 : vector<16xf32> to vector<16xf32>
        %add3A_142 = arith.addf %get3A_138, %get3A_141 : vector<16xf32>
        %max3A_143 = arith.constant 0.000000e+00 : f32
        %max3A_144 = vector.broadcast %max3A_143 : f32 to vector<16xf32>
        %max3A_145 = arith.maximumf %add3A_142, %max3A_144 : vector<16xf32>
        %swap3A_146 = arith.index_cast %mul3A_124 : i32 to index
        %swap3A_147 = tpu.vector_load %arg14[%swap3A_146] {strides = array<i32>} : memref<2000xf32, #tpu.memory_space<vmem>>, vector<16xf32>,
        %swap3A_148 = vector.shape_cast %swap3A_147 : vector<16xf32> to vector<16xf32>
        %swap3A_149 = vector.shape_cast %max3A_145 : vector<16xf32> to vector<16xf32>
        tpu.vector_store %arg14[%swap3A_146], %swap3A_149 {strides = array<i32>} : memref<2000xf32, #tpu.memory_space<vmem>>, vector<16xf32>,
      }
      %scan3A_97 = arith.constant 125 : i32
      %dma_start3A_98 = arith.constant 0 : i32
      %dma_start3A_99 = tpu.memref_slice %arg24[%dma_start3A_98] : memref<51200xf32, #tpu.memory_space<vmem_shared>> -> memref<51200xf32, #tpu.memory_space<vmem_shared>>
      tpu.enqueue_indirect_dma source(%arg13 : memref<2000xf32, #tpu.memory_space<vmem>>) target(%dma_start3A_99 : memref<51200xf32, #tpu.memory_space<vmem_shared>>) offsets(%arg12 : memref<2000xi32, #tpu.memory_space<vmem>>) semaphore(%arg21 : memref<!tpu.dma_semaphore, #tpu.memory_space<semaphore_mem>>) {add = true}
      %dma_start3A_100 = arith.constant 0 : i32
      %dma_start3A_101 = tpu.memref_slice %arg25[%dma_start3A_100] : memref<51200xf32, #tpu.memory_space<vmem_shared>> -> memref<51200xf32, #tpu.memory_space<vmem_shared>>
      tpu.enqueue_indirect_dma source(%arg14 : memref<2000xf32, #tpu.memory_space<vmem>>) target(%dma_start3A_101 : memref<51200xf32, #tpu.memory_space<vmem_shared>>) offsets(%arg12 : memref<2000xi32, #tpu.memory_space<vmem>>) semaphore(%arg21 : memref<!tpu.dma_semaphore, #tpu.memory_space<semaphore_mem>>) {add = true}
      %dma_start3A_102 = arith.constant 0 : i32
      %dma_start3A_103 = tpu.memref_slice %arg26[%dma_start3A_102] : memref<51200xf32, #tpu.memory_space<vmem_shared>> -> memref<51200xf32, #tpu.memory_space<vmem_shared>>
      tpu.enqueue_indirect_dma source(%arg17 : memref<2000xf32, #tpu.memory_space<vmem>>) target(%dma_start3A_103 : memref<51200xf32, #tpu.memory_space<vmem_shared>>) offsets(%arg12 : memref<2000xi32, #tpu.memory_space<vmem>>) semaphore(%arg21 : memref<!tpu.dma_semaphore, #tpu.memory_space<semaphore_mem>>) {add = true}
      %dma_start3A_104 = arith.constant 0 : i32
      %dma_start3A_105 = tpu.memref_slice %arg27[%dma_start3A_104] : memref<51200xf32, #tpu.memory_space<vmem_shared>> -> memref<51200xf32, #tpu.memory_space<vmem_shared>>
      tpu.enqueue_indirect_dma source(%arg13 : memref<2000xf32, #tpu.memory_space<vmem>>) target(%dma_start3A_105 : memref<51200xf32, #tpu.memory_space<vmem_shared>>) offsets(%arg11 : memref<2000xi32, #tpu.memory_space<vmem>>) semaphore(%arg21 : memref<!tpu.dma_semaphore, #tpu.memory_space<semaphore_mem>>) {add = true}
      %dma_start3A_106 = arith.constant 0 : i32
      %dma_start3A_107 = tpu.memref_slice %arg28[%dma_start3A_106] : memref<51200xf32, #tpu.memory_space<vmem_shared>> -> memref<51200xf32, #tpu.memory_space<vmem_shared>>
      tpu.enqueue_indirect_dma source(%arg14 : memref<2000xf32, #tpu.memory_space<vmem>>) target(%dma_start3A_107 : memref<51200xf32, #tpu.memory_space<vmem_shared>>) offsets(%arg11 : memref<2000xi32, #tpu.memory_space<vmem>>) semaphore(%arg21 : memref<!tpu.dma_semaphore, #tpu.memory_space<semaphore_mem>>) {add = true}
      %dma_start3A_108 = arith.constant 0 : i32
      %dma_start3A_109 = tpu.memref_slice %arg29[%dma_start3A_108] : memref<51200xf32, #tpu.memory_space<vmem_shared>> -> memref<51200xf32, #tpu.memory_space<vmem_shared>>
      tpu.enqueue_indirect_dma source(%arg17 : memref<2000xf32, #tpu.memory_space<vmem>>) target(%dma_start3A_109 : memref<51200xf32, #tpu.memory_space<vmem_shared>>) offsets(%arg11 : memref<2000xi32, #tpu.memory_space<vmem>>) semaphore(%arg21 : memref<!tpu.dma_semaphore, #tpu.memory_space<semaphore_mem>>) {add = true}
      %dma_wait3A_110 = arith.constant 0 : i32
      %dma_wait3A_111 = tpu.memref_slice %arg24[%dma_wait3A_110] : memref<51200xf32, #tpu.memory_space<vmem_shared>> -> memref<51200xf32, #tpu.memory_space<vmem_shared>>
      tpu.wait_indirect_dma semaphore(%arg21 : memref<!tpu.dma_semaphore, #tpu.memory_space<semaphore_mem>>) src(%arg13 : memref<2000xf32, #tpu.memory_space<vmem>>) dst(%dma_wait3A_111 : memref<51200xf32, #tpu.memory_space<vmem_shared>>)
      %dma_wait3A_112 = arith.constant 0 : i32
      %dma_wait3A_113 = tpu.memref_slice %arg25[%dma_wait3A_112] : memref<51200xf32, #tpu.memory_space<vmem_shared>> -> memref<51200xf32, #tpu.memory_space<vmem_shared>>
      tpu.wait_indirect_dma semaphore(%arg21 : memref<!tpu.dma_semaphore, #tpu.memory_space<semaphore_mem>>) src(%arg14 : memref<2000xf32, #tpu.memory_space<vmem>>) dst(%dma_wait3A_113 : memref<51200xf32, #tpu.memory_space<vmem_shared>>)
      %dma_wait3A_114 = arith.constant 0 : i32
      %dma_wait3A_115 = tpu.memref_slice %arg26[%dma_wait3A_114] : memref<51200xf32, #tpu.memory_space<vmem_shared>> -> memref<51200xf32, #tpu.memory_space<vmem_shared>>
      tpu.wait_indirect_dma semaphore(%arg21 : memref<!tpu.dma_semaphore, #tpu.memory_space<semaphore_mem>>) src(%arg17 : memref<2000xf32, #tpu.memory_space<vmem>>) dst(%dma_wait3A_115 : memref<51200xf32, #tpu.memory_space<vmem_shared>>)
      %dma_wait3A_116 = arith.constant 0 : i32
      %dma_wait3A_117 = tpu.memref_slice %arg27[%dma_wait3A_116] : memref<51200xf32, #tpu.memory_space<vmem_shared>> -> memref<51200xf32, #tpu.memory_space<vmem_shared>>
      tpu.wait_indirect_dma semaphore(%arg21 : memref<!tpu.dma_semaphore, #tpu.memory_space<semaphore_mem>>) src(%arg13 : memref<2000xf32, #tpu.memory_space<vmem>>) dst(%dma_wait3A_117 : memref<51200xf32, #tpu.memory_space<vmem_shared>>)
      %dma_wait3A_118 = arith.constant 0 : i32
      %dma_wait3A_119 = tpu.memref_slice %arg28[%dma_wait3A_118] : memref<51200xf32, #tpu.memory_space<vmem_shared>> -> memref<51200xf32, #tpu.memory_space<vmem_shared>>
      tpu.wait_indirect_dma semaphore(%arg21 : memref<!tpu.dma_semaphore, #tpu.memory_space<semaphore_mem>>) src(%arg14 : memref<2000xf32, #tpu.memory_space<vmem>>) dst(%dma_wait3A_119 : memref<51200xf32, #tpu.memory_space<vmem_shared>>)
      %dma_wait3A_120 = arith.constant 0 : i32
      %dma_wait3A_121 = tpu.memref_slice %arg29[%dma_wait3A_120] : memref<51200xf32, #tpu.memory_space<vmem_shared>> -> memref<51200xf32, #tpu.memory_space<vmem_shared>>
      tpu.wait_indirect_dma semaphore(%arg21 : memref<!tpu.dma_semaphore, #tpu.memory_space<semaphore_mem>>) src(%arg17 : memref<2000xf32, #tpu.memory_space<vmem>>) dst(%dma_wait3A_121 : memref<51200xf32, #tpu.memory_space<vmem_shared>>)
    }
    %while3A_33 = arith.constant 1 : i32
    scf.for %while3A_65 = %while3A_31 to %while3A_27 step %while3A_33  : i32 {
      %mul3A_66 = arith.constant 32 : i32
      %mul3A_67 = arith.muli %while3A_65, %mul3A_66 : i32
      %add3A_68 = arith.addi %add3A, %mul3A_67 : i32
      %mul3A_69 = arith.constant 2000 : i32
      %mul3A_70 = arith.muli %add3A_68, %mul3A_69 : i32
      %dma_start3A = tpu.memref_slice %arg2[%mul3A_70] : memref<800000xi32, #tpu.memory_space<hbm>> -> memref<2000xi32, #tpu.memory_space<hbm>>
      %dma_start3A_71 = tpu.memref_slice %arg2[%mul3A_70] : memref<800000xi32, #tpu.memory_space<hbm>> -> memref<2000xi32, #tpu.memory_space<hbm>>
      tpu.enqueue_dma source(%dma_start3A_71 : memref<2000xi32, #tpu.memory_space<hbm>>) target(%arg11 : memref<2000xi32, #tpu.memory_space<vmem>>) target_semaphore(%arg19 : memref<!tpu.dma_semaphore, #tpu.memory_space<semaphore_mem>>)
      %dma_start3A_72 = tpu.memref_slice %arg3[%mul3A_70] : memref<800000xi32, #tpu.memory_space<hbm>> -> memref<2000xi32, #tpu.memory_space<hbm>>
      %dma_start3A_73 = tpu.memref_slice %arg3[%mul3A_70] : memref<800000xi32, #tpu.memory_space<hbm>> -> memref<2000xi32, #tpu.memory_space<hbm>>
      tpu.enqueue_dma source(%dma_start3A_73 : memref<2000xi32, #tpu.memory_space<hbm>>) target(%arg12 : memref<2000xi32, #tpu.memory_space<vmem>>) target_semaphore(%arg19 : memref<!tpu.dma_semaphore, #tpu.memory_space<semaphore_mem>>)
      %dma_start3A_74 = tpu.memref_slice %arg4[%mul3A_70] : memref<819200xf32, #tpu.memory_space<hbm>> -> memref<2000xf32, #tpu.memory_space<hbm>>
      %dma_start3A_75 = tpu.memref_slice %arg4[%mul3A_70] : memref<819200xf32, #tpu.memory_space<hbm>> -> memref<2000xf32, #tpu.memory_space<hbm>>
      tpu.enqueue_dma source(%dma_start3A_75 : memref<2000xf32, #tpu.memory_space<hbm>>) target(%arg13 : memref<2000xf32, #tpu.memory_space<vmem>>) target_semaphore(%arg19 : memref<!tpu.dma_semaphore, #tpu.memory_space<semaphore_mem>>)
      %dma_start3A_76 = tpu.memref_slice %arg5[%mul3A_70] : memref<819200xf32, #tpu.memory_space<hbm>> -> memref<2000xf32, #tpu.memory_space<hbm>>
      %dma_start3A_77 = tpu.memref_slice %arg5[%mul3A_70] : memref<819200xf32, #tpu.memory_space<hbm>> -> memref<2000xf32, #tpu.memory_space<hbm>>
      tpu.enqueue_dma source(%dma_start3A_77 : memref<2000xf32, #tpu.memory_space<hbm>>) target(%arg14 : memref<2000xf32, #tpu.memory_space<vmem>>) target_semaphore(%arg19 : memref<!tpu.dma_semaphore, #tpu.memory_space<semaphore_mem>>)
      %dma_wait3A = tpu.memref_slice %arg2[%mul3A_70] : memref<800000xi32, #tpu.memory_space<hbm>> -> memref<2000xi32, #tpu.memory_space<hbm>>
      %dma_wait3A_78 = tpu.memref_slice %arg2[%mul3A_70] : memref<800000xi32, #tpu.memory_space<hbm>> -> memref<2000xi32, #tpu.memory_space<hbm>>
      tpu.wait_dma2 semaphore(%arg19 : memref<!tpu.dma_semaphore, #tpu.memory_space<semaphore_mem>>) src(%dma_wait3A_78 : memref<2000xi32, #tpu.memory_space<hbm>>) dst(%arg11 : memref<2000xi32, #tpu.memory_space<vmem>>)
      %dma_start3A_79 = arith.constant 0 : i32
      %dma_start3A_80 = tpu.memref_slice %arg22[%dma_start3A_79] : memref<51200xf32, #tpu.memory_space<vmem_shared>> -> memref<51200xf32, #tpu.memory_space<vmem_shared>>
      tpu.enqueue_indirect_dma source(%dma_start3A_80 : memref<51200xf32, #tpu.memory_space<vmem_shared>>) target(%arg15 : memref<2000xf32, #tpu.memory_space<vmem>>) offsets(%arg11 : memref<2000xi32, #tpu.memory_space<vmem>>) semaphore(%arg20 : memref<!tpu.dma_semaphore, #tpu.memory_space<semaphore_mem>>)
      %dma_start3A_81 = arith.constant 0 : i32
      %dma_start3A_82 = tpu.memref_slice %arg23[%dma_start3A_81] : memref<51200xf32, #tpu.memory_space<vmem_shared>> -> memref<51200xf32, #tpu.memory_space<vmem_shared>>
      tpu.enqueue_indirect_dma source(%dma_start3A_82 : memref<51200xf32, #tpu.memory_space<vmem_shared>>) target(%arg16 : memref<2000xf32, #tpu.memory_space<vmem>>) offsets(%arg11 : memref<2000xi32, #tpu.memory_space<vmem>>) semaphore(%arg20 : memref<!tpu.dma_semaphore, #tpu.memory_space<semaphore_mem>>)
      %dma_wait3A_83 = tpu.memref_slice %arg3[%mul3A_70] : memref<800000xi32, #tpu.memory_space<hbm>> -> memref<2000xi32, #tpu.memory_space<hbm>>
      %dma_wait3A_84 = tpu.memref_slice %arg3[%mul3A_70] : memref<800000xi32, #tpu.memory_space<hbm>> -> memref<2000xi32, #tpu.memory_space<hbm>>
      tpu.wait_dma2 semaphore(%arg19 : memref<!tpu.dma_semaphore, #tpu.memory_space<semaphore_mem>>) src(%dma_wait3A_84 : memref<2000xi32, #tpu.memory_space<hbm>>) dst(%arg12 : memref<2000xi32, #tpu.memory_space<vmem>>)
      %dma_wait3A_85 = tpu.memref_slice %arg4[%mul3A_70] : memref<819200xf32, #tpu.memory_space<hbm>> -> memref<2000xf32, #tpu.memory_space<hbm>>
      %dma_wait3A_86 = tpu.memref_slice %arg4[%mul3A_70] : memref<819200xf32, #tpu.memory_space<hbm>> -> memref<2000xf32, #tpu.memory_space<hbm>>
      tpu.wait_dma2 semaphore(%arg19 : memref<!tpu.dma_semaphore, #tpu.memory_space<semaphore_mem>>) src(%dma_wait3A_86 : memref<2000xf32, #tpu.memory_space<hbm>>) dst(%arg13 : memref<2000xf32, #tpu.memory_space<vmem>>)
      %dma_wait3A_87 = tpu.memref_slice %arg5[%mul3A_70] : memref<819200xf32, #tpu.memory_space<hbm>> -> memref<2000xf32, #tpu.memory_space<hbm>>
      %dma_wait3A_88 = tpu.memref_slice %arg5[%mul3A_70] : memref<819200xf32, #tpu.memory_space<hbm>> -> memref<2000xf32, #tpu.memory_space<hbm>>
      tpu.wait_dma2 semaphore(%arg19 : memref<!tpu.dma_semaphore, #tpu.memory_space<semaphore_mem>>) src(%dma_wait3A_88 : memref<2000xf32, #tpu.memory_space<hbm>>) dst(%arg14 : memref<2000xf32, #tpu.memory_space<vmem>>)
      %dma_wait3A_89 = arith.constant 0 : i32
      %dma_wait3A_90 = tpu.memref_slice %arg22[%dma_wait3A_89] : memref<51200xf32, #tpu.memory_space<vmem_shared>> -> memref<51200xf32, #tpu.memory_space<vmem_shared>>
      tpu.wait_indirect_dma semaphore(%arg20 : memref<!tpu.dma_semaphore, #tpu.memory_space<semaphore_mem>>) src(%dma_wait3A_90 : memref<51200xf32, #tpu.memory_space<vmem_shared>>) dst(%arg15 : memref<2000xf32, #tpu.memory_space<vmem>>)
      %dma_wait3A_91 = arith.constant 0 : i32
      %dma_wait3A_92 = tpu.memref_slice %arg23[%dma_wait3A_91] : memref<51200xf32, #tpu.memory_space<vmem_shared>> -> memref<51200xf32, #tpu.memory_space<vmem_shared>>
      tpu.wait_indirect_dma semaphore(%arg20 : memref<!tpu.dma_semaphore, #tpu.memory_space<semaphore_mem>>) src(%dma_wait3A_92 : memref<51200xf32, #tpu.memory_space<vmem_shared>>) dst(%arg16 : memref<2000xf32, #tpu.memory_space<vmem>>)
      %scan3A = arith.constant 0 : i32
      %scan3A_93 = arith.constant 0 : i32
      %scan3A_94 = arith.constant 125 : i32
      %scan3A_95 = arith.addi %scan3A_93, %scan3A_94 : i32
      %scan3A_96 = arith.constant 1 : i32
      scf.for %scan3A_122 = %scan3A_93 to %scan3A_95 step %scan3A_96  : i32 {
        %mul3A_123 = arith.constant 16 : i32
        %mul3A_124 = arith.muli %mul3A_123, %scan3A_122 : i32
        %get3A = arith.index_cast %mul3A_124 : i32 to index
        %get3A_125 = tpu.vector_load %arg13[%get3A] {strides = array<i32>} : memref<2000xf32, #tpu.memory_space<vmem>>, vector<16xf32>,
        %get3A_126 = vector.shape_cast %get3A_125 : vector<16xf32> to vector<16xf32>
        %get3A_127 = arith.index_cast %mul3A_124 : i32 to index
        %get3A_128 = tpu.vector_load %arg15[%get3A_127] {strides = array<i32>} : memref<2000xf32, #tpu.memory_space<vmem>>, vector<16xf32>,
        %get3A_129 = vector.shape_cast %get3A_128 : vector<16xf32> to vector<16xf32>
        %add3A_130 = arith.addf %get3A_126, %get3A_129 : vector<16xf32>
        %max3A = arith.constant 0.000000e+00 : f32
        %max3A_131 = vector.broadcast %max3A : f32 to vector<16xf32>
        %max3A_132 = arith.maximumf %add3A_130, %max3A_131 : vector<16xf32>
        %swap3A = arith.index_cast %mul3A_124 : i32 to index
        %swap3A_133 = tpu.vector_load %arg13[%swap3A] {strides = array<i32>} : memref<2000xf32, #tpu.memory_space<vmem>>, vector<16xf32>,
        %swap3A_134 = vector.shape_cast %swap3A_133 : vector<16xf32> to vector<16xf32>
        %swap3A_135 = vector.shape_cast %max3A_132 : vector<16xf32> to vector<16xf32>
        tpu.vector_store %arg13[%swap3A], %swap3A_135 {strides = array<i32>} : memref<2000xf32, #tpu.memory_space<vmem>>, vector<16xf32>,
        %get3A_136 = arith.index_cast %mul3A_124 : i32 to index
        %get3A_137 = tpu.vector_load %arg14[%get3A_136] {strides = array<i32>} : memref<2000xf32, #tpu.memory_space<vmem>>, vector<16xf32>,
        %get3A_138 = vector.shape_cast %get3A_137 : vector<16xf32> to vector<16xf32>
        %get3A_139 = arith.index_cast %mul3A_124 : i32 to index
        %get3A_140 = tpu.vector_load %arg16[%get3A_139] {strides = array<i32>} : memref<2000xf32, #tpu.memory_space<vmem>>, vector<16xf32>,
        %get3A_141 = vector.shape_cast %get3A_140 : vector<16xf32> to vector<16xf32>
        %add3A_142 = arith.addf %get3A_138, %get3A_141 : vector<16xf32>
        %max3A_143 = arith.constant 0.000000e+00 : f32
        %max3A_144 = vector.broadcast %max3A_143 : f32 to vector<16xf32>
        %max3A_145 = arith.maximumf %add3A_142, %max3A_144 : vector<16xf32>
        %swap3A_146 = arith.index_cast %mul3A_124 : i32 to index
        %swap3A_147 = tpu.vector_load %arg14[%swap3A_146] {strides = array<i32>} : memref<2000xf32, #tpu.memory_space<vmem>>, vector<16xf32>,
        %swap3A_148 = vector.shape_cast %swap3A_147 : vector<16xf32> to vector<16xf32>
        %swap3A_149 = vector.shape_cast %max3A_145 : vector<16xf32> to vector<16xf32>
        tpu.vector_store %arg14[%swap3A_146], %swap3A_149 {strides = array<i32>} : memref<2000xf32, #tpu.memory_space<vmem>>, vector<16xf32>,
      }
      %scan3A_97 = arith.constant 125 : i32
      %dma_start3A_98 = arith.constant 0 : i32
      %dma_start3A_99 = tpu.memref_slice %arg24[%dma_start3A_98] : memref<51200xf32, #tpu.memory_space<vmem_shared>> -> memref<51200xf32, #tpu.memory_space<vmem_shared>>
      tpu.enqueue_indirect_dma source(%arg13 : memref<2000xf32, #tpu.memory_space<vmem>>) target(%dma_start3A_99 : memref<51200xf32, #tpu.memory_space<vmem_shared>>) offsets(%arg12 : memref<2000xi32, #tpu.memory_space<vmem>>) semaphore(%arg21 : memref<!tpu.dma_semaphore, #tpu.memory_space<semaphore_mem>>) {add = true}
      %dma_start3A_100 = arith.constant 0 : i32
      %dma_start3A_101 = tpu.memref_slice %arg25[%dma_start3A_100] : memref<51200xf32, #tpu.memory_space<vmem_shared>> -> memref<51200xf32, #tpu.memory_space<vmem_shared>>
      tpu.enqueue_indirect_dma source(%arg14 : memref<2000xf32, #tpu.memory_space<vmem>>) target(%dma_start3A_101 : memref<51200xf32, #tpu.memory_space<vmem_shared>>) offsets(%arg12 : memref<2000xi32, #tpu.memory_space<vmem>>) semaphore(%arg21 : memref<!tpu.dma_semaphore, #tpu.memory_space<semaphore_mem>>) {add = true}
      %dma_start3A_102 = arith.constant 0 : i32
      %dma_start3A_103 = tpu.memref_slice %arg26[%dma_start3A_102] : memref<51200xf32, #tpu.memory_space<vmem_shared>> -> memref<51200xf32, #tpu.memory_space<vmem_shared>>
      tpu.enqueue_indirect_dma source(%arg17 : memref<2000xf32, #tpu.memory_space<vmem>>) target(%dma_start3A_103 : memref<51200xf32, #tpu.memory_space<vmem_shared>>) offsets(%arg12 : memref<2000xi32, #tpu.memory_space<vmem>>) semaphore(%arg21 : memref<!tpu.dma_semaphore, #tpu.memory_space<semaphore_mem>>) {add = true}
      %dma_start3A_104 = arith.constant 0 : i32
      %dma_start3A_105 = tpu.memref_slice %arg27[%dma_start3A_104] : memref<51200xf32, #tpu.memory_space<vmem_shared>> -> memref<51200xf32, #tpu.memory_space<vmem_shared>>
      tpu.enqueue_indirect_dma source(%arg13 : memref<2000xf32, #tpu.memory_space<vmem>>) target(%dma_start3A_105 : memref<51200xf32, #tpu.memory_space<vmem_shared>>) offsets(%arg11 : memref<2000xi32, #tpu.memory_space<vmem>>) semaphore(%arg21 : memref<!tpu.dma_semaphore, #tpu.memory_space<semaphore_mem>>) {add = true}
      %dma_start3A_106 = arith.constant 0 : i32
      %dma_start3A_107 = tpu.memref_slice %arg28[%dma_start3A_106] : memref<51200xf32, #tpu.memory_space<vmem_shared>> -> memref<51200xf32, #tpu.memory_space<vmem_shared>>
      tpu.enqueue_indirect_dma source(%arg14 : memref<2000xf32, #tpu.memory_space<vmem>>) target(%dma_start3A_107 : memref<51200xf32, #tpu.memory_space<vmem_shared>>) offsets(%arg11 : memref<2000xi32, #tpu.memory_space<vmem>>) semaphore(%arg21 : memref<!tpu.dma_semaphore, #tpu.memory_space<semaphore_mem>>) {add = true}
      %dma_start3A_108 = arith.constant 0 : i32
      %dma_start3A_109 = tpu.memref_slice %arg29[%dma_start3A_108] : memref<51200xf32, #tpu.memory_space<vmem_shared>> -> memref<51200xf32, #tpu.memory_space<vmem_shared>>
      tpu.enqueue_indirect_dma source(%arg17 : memref<2000xf32, #tpu.memory_space<vmem>>) target(%dma_start3A_109 : memref<51200xf32, #tpu.memory_space<vmem_shared>>) offsets(%arg11 : memref<2000xi32, #tpu.memory_space<vmem>>) semaphore(%arg21 : memref<!tpu.dma_semaphore, #tpu.memory_space<semaphore_mem>>) {add = true}
      %dma_wait3A_110 = arith.constant 0 : i32
      %dma_wait3A_111 = tpu.memref_slice %arg24[%dma_wait3A_110] : memref<51200xf32, #tpu.memory_space<vmem_shared>> -> memref<51200xf32, #tpu.memory_space<vmem_shared>>
      tpu.wait_indirect_dma semaphore(%arg21 : memref<!tpu.dma_semaphore, #tpu.memory_space<semaphore_mem>>) src(%arg13 : memref<2000xf32, #tpu.memory_space<vmem>>) dst(%dma_wait3A_111 : memref<51200xf32, #tpu.memory_space<vmem_shared>>)
      %dma_wait3A_112 = arith.constant 0 : i32
      %dma_wait3A_113 = tpu.memref_slice %arg25[%dma_wait3A_112] : memref<51200xf32, #tpu.memory_space<vmem_shared>> -> memref<51200xf32, #tpu.memory_space<vmem_shared>>
      tpu.wait_indirect_dma semaphore(%arg21 : memref<!tpu.dma_semaphore, #tpu.memory_space<semaphore_mem>>) src(%arg14 : memref<2000xf32, #tpu.memory_space<vmem>>) dst(%dma_wait3A_113 : memref<51200xf32, #tpu.memory_space<vmem_shared>>)
      %dma_wait3A_114 = arith.constant 0 : i32
      %dma_wait3A_115 = tpu.memref_slice %arg26[%dma_wait3A_114] : memref<51200xf32, #tpu.memory_space<vmem_shared>> -> memref<51200xf32, #tpu.memory_space<vmem_shared>>
      tpu.wait_indirect_dma semaphore(%arg21 : memref<!tpu.dma_semaphore, #tpu.memory_space<semaphore_mem>>) src(%arg17 : memref<2000xf32, #tpu.memory_space<vmem>>) dst(%dma_wait3A_115 : memref<51200xf32, #tpu.memory_space<vmem_shared>>)
      %dma_wait3A_116 = arith.constant 0 : i32
      %dma_wait3A_117 = tpu.memref_slice %arg27[%dma_wait3A_116] : memref<51200xf32, #tpu.memory_space<vmem_shared>> -> memref<51200xf32, #tpu.memory_space<vmem_shared>>
      tpu.wait_indirect_dma semaphore(%arg21 : memref<!tpu.dma_semaphore, #tpu.memory_space<semaphore_mem>>) src(%arg13 : memref<2000xf32, #tpu.memory_space<vmem>>) dst(%dma_wait3A_117 : memref<51200xf32, #tpu.memory_space<vmem_shared>>)
      %dma_wait3A_118 = arith.constant 0 : i32
      %dma_wait3A_119 = tpu.memref_slice %arg28[%dma_wait3A_118] : memref<51200xf32, #tpu.memory_space<vmem_shared>> -> memref<51200xf32, #tpu.memory_space<vmem_shared>>
      tpu.wait_indirect_dma semaphore(%arg21 : memref<!tpu.dma_semaphore, #tpu.memory_space<semaphore_mem>>) src(%arg14 : memref<2000xf32, #tpu.memory_space<vmem>>) dst(%dma_wait3A_119 : memref<51200xf32, #tpu.memory_space<vmem_shared>>)
      %dma_wait3A_120 = arith.constant 0 : i32
      %dma_wait3A_121 = tpu.memref_slice %arg29[%dma_wait3A_120] : memref<51200xf32, #tpu.memory_space<vmem_shared>> -> memref<51200xf32, #tpu.memory_space<vmem_shared>>
      tpu.wait_indirect_dma semaphore(%arg21 : memref<!tpu.dma_semaphore, #tpu.memory_space<semaphore_mem>>) src(%arg17 : memref<2000xf32, #tpu.memory_space<vmem>>) dst(%dma_wait3A_121 : memref<51200xf32, #tpu.memory_space<vmem_shared>>)
    }
    %barrier3A_34 = arith.constant 0 : index
    tpu.barrier barrier_id(%barrier3A_34)
    "tpu.region"() ({
      %run_scoped3A = tpu.sem_alloc : memref<!tpu.dma_semaphore, #tpu.memory_space<semaphore_mem>>
      %dma_start3A = tpu.memref_slice %arg24[%mul3A_2] : memref<51200xf32, #tpu.memory_space<vmem_shared>> -> memref<3200xf32, #tpu.memory_space<vmem_shared>>
      %dma_start3A_65 = tpu.memref_slice %arg24[%mul3A_2] : memref<51200xf32, #tpu.memory_space<vmem_shared>> -> memref<3200xf32, #tpu.memory_space<vmem_shared>>
      tpu.enqueue_dma source(%dma_start3A_65 : memref<3200xf32, #tpu.memory_space<vmem_shared>>) target(%arg18 : memref<3200xf32, #tpu.memory_space<vmem>>) target_semaphore(%run_scoped3A : memref<!tpu.dma_semaphore, #tpu.memory_space<semaphore_mem>>)
      %dma_wait3A = tpu.memref_slice %arg24[%mul3A_2] : memref<51200xf32, #tpu.memory_space<vmem_shared>> -> memref<3200xf32, #tpu.memory_space<vmem_shared>>
      %dma_wait3A_66 = tpu.memref_slice %arg24[%mul3A_2] : memref<51200xf32, #tpu.memory_space<vmem_shared>> -> memref<3200xf32, #tpu.memory_space<vmem_shared>>
      tpu.wait_dma2 semaphore(%run_scoped3A : memref<!tpu.dma_semaphore, #tpu.memory_space<semaphore_mem>>) src(%dma_wait3A_66 : memref<3200xf32, #tpu.memory_space<vmem_shared>>) dst(%arg18 : memref<3200xf32, #tpu.memory_space<vmem>>)
      tpu.yield
    }) : () -> ()
    %mul3A_35 = arith.constant 307200 : i32
    %mul3A_36 = arith.muli %arg0, %mul3A_35 : i32
    %add3A_37 = arith.constant 0 : i32
    %add3A_38 = arith.addi %mul3A_36, %add3A_37 : i32
    %add3A_39 = arith.addi %add3A_38, %mul3A_2 : i32
    "tpu.region"() ({
      %run_scoped3A = tpu.sem_alloc : memref<!tpu.dma_semaphore, #tpu.memory_space<semaphore_mem>>
      %dma_start3A = tpu.memref_slice %arg10[%add3A_39] : memref<614400xf32, #tpu.memory_space<hbm>> -> memref<3200xf32, #tpu.memory_space<hbm>>
      %dma_start3A_65 = tpu.memref_slice %arg10[%add3A_39] : memref<614400xf32, #tpu.memory_space<hbm>> -> memref<3200xf32, #tpu.memory_space<hbm>>
      tpu.enqueue_dma source(%arg18 : memref<3200xf32, #tpu.memory_space<vmem>>) target(%dma_start3A_65 : memref<3200xf32, #tpu.memory_space<hbm>>) target_semaphore(%run_scoped3A : memref<!tpu.dma_semaphore, #tpu.memory_space<semaphore_mem>>)
      %dma_wait3A = tpu.memref_slice %arg10[%add3A_39] : memref<614400xf32, #tpu.memory_space<hbm>> -> memref<3200xf32, #tpu.memory_space<hbm>>
      %dma_wait3A_66 = tpu.memref_slice %arg10[%add3A_39] : memref<614400xf32, #tpu.memory_space<hbm>> -> memref<3200xf32, #tpu.memory_space<hbm>>
      tpu.wait_dma2 semaphore(%run_scoped3A : memref<!tpu.dma_semaphore, #tpu.memory_space<semaphore_mem>>) src(%arg18 : memref<3200xf32, #tpu.memory_space<vmem>>) dst(%dma_wait3A_66 : memref<3200xf32, #tpu.memory_space<hbm>>)
      tpu.yield
    }) : () -> ()
    "tpu.region"() ({
      %run_scoped3A = tpu.sem_alloc : memref<!tpu.dma_semaphore, #tpu.memory_space<semaphore_mem>>
      %dma_start3A = tpu.memref_slice %arg25[%mul3A_2] : memref<51200xf32, #tpu.memory_space<vmem_shared>> -> memref<3200xf32, #tpu.memory_space<vmem_shared>>
      %dma_start3A_65 = tpu.memref_slice %arg25[%mul3A_2] : memref<51200xf32, #tpu.memory_space<vmem_shared>> -> memref<3200xf32, #tpu.memory_space<vmem_shared>>
      tpu.enqueue_dma source(%dma_start3A_65 : memref<3200xf32, #tpu.memory_space<vmem_shared>>) target(%arg18 : memref<3200xf32, #tpu.memory_space<vmem>>) target_semaphore(%run_scoped3A : memref<!tpu.dma_semaphore, #tpu.memory_space<semaphore_mem>>)
      %dma_wait3A = tpu.memref_slice %arg25[%mul3A_2] : memref<51200xf32, #tpu.memory_space<vmem_shared>> -> memref<3200xf32, #tpu.memory_space<vmem_shared>>
      %dma_wait3A_66 = tpu.memref_slice %arg25[%mul3A_2] : memref<51200xf32, #tpu.memory_space<vmem_shared>> -> memref<3200xf32, #tpu.memory_space<vmem_shared>>
      tpu.wait_dma2 semaphore(%run_scoped3A : memref<!tpu.dma_semaphore, #tpu.memory_space<semaphore_mem>>) src(%dma_wait3A_66 : memref<3200xf32, #tpu.memory_space<vmem_shared>>) dst(%arg18 : memref<3200xf32, #tpu.memory_space<vmem>>)
      tpu.yield
    }) : () -> ()
    %mul3A_40 = arith.constant 307200 : i32
    %mul3A_41 = arith.muli %arg0, %mul3A_40 : i32
    %add3A_42 = arith.constant 51200 : i32
    %add3A_43 = arith.addi %mul3A_41, %add3A_42 : i32
    %add3A_44 = arith.addi %add3A_43, %mul3A_2 : i32
    "tpu.region"() ({
      %run_scoped3A = tpu.sem_alloc : memref<!tpu.dma_semaphore, #tpu.memory_space<semaphore_mem>>
      %dma_start3A = tpu.memref_slice %arg10[%add3A_44] : memref<614400xf32, #tpu.memory_space<hbm>> -> memref<3200xf32, #tpu.memory_space<hbm>>
      %dma_start3A_65 = tpu.memref_slice %arg10[%add3A_44] : memref<614400xf32, #tpu.memory_space<hbm>> -> memref<3200xf32, #tpu.memory_space<hbm>>
      tpu.enqueue_dma source(%arg18 : memref<3200xf32, #tpu.memory_space<vmem>>) target(%dma_start3A_65 : memref<3200xf32, #tpu.memory_space<hbm>>) target_semaphore(%run_scoped3A : memref<!tpu.dma_semaphore, #tpu.memory_space<semaphore_mem>>)
      %dma_wait3A = tpu.memref_slice %arg10[%add3A_44] : memref<614400xf32, #tpu.memory_space<hbm>> -> memref<3200xf32, #tpu.memory_space<hbm>>
      %dma_wait3A_66 = tpu.memref_slice %arg10[%add3A_44] : memref<614400xf32, #tpu.memory_space<hbm>> -> memref<3200xf32, #tpu.memory_space<hbm>>
      tpu.wait_dma2 semaphore(%run_scoped3A : memref<!tpu.dma_semaphore, #tpu.memory_space<semaphore_mem>>) src(%arg18 : memref<3200xf32, #tpu.memory_space<vmem>>) dst(%dma_wait3A_66 : memref<3200xf32, #tpu.memory_space<hbm>>)
      tpu.yield
    }) : () -> ()
    "tpu.region"() ({
      %run_scoped3A = tpu.sem_alloc : memref<!tpu.dma_semaphore, #tpu.memory_space<semaphore_mem>>
      %dma_start3A = tpu.memref_slice %arg26[%mul3A_2] : memref<51200xf32, #tpu.memory_space<vmem_shared>> -> memref<3200xf32, #tpu.memory_space<vmem_shared>>
      %dma_start3A_65 = tpu.memref_slice %arg26[%mul3A_2] : memref<51200xf32, #tpu.memory_space<vmem_shared>> -> memref<3200xf32, #tpu.memory_space<vmem_shared>>
      tpu.enqueue_dma source(%dma_start3A_65 : memref<3200xf32, #tpu.memory_space<vmem_shared>>) target(%arg18 : memref<3200xf32, #tpu.memory_space<vmem>>) target_semaphore(%run_scoped3A : memref<!tpu.dma_semaphore, #tpu.memory_space<semaphore_mem>>)
      %dma_wait3A = tpu.memref_slice %arg26[%mul3A_2] : memref<51200xf32, #tpu.memory_space<vmem_shared>> -> memref<3200xf32, #tpu.memory_space<vmem_shared>>
      %dma_wait3A_66 = tpu.memref_slice %arg26[%mul3A_2] : memref<51200xf32, #tpu.memory_space<vmem_shared>> -> memref<3200xf32, #tpu.memory_space<vmem_shared>>
      tpu.wait_dma2 semaphore(%run_scoped3A : memref<!tpu.dma_semaphore, #tpu.memory_space<semaphore_mem>>) src(%dma_wait3A_66 : memref<3200xf32, #tpu.memory_space<vmem_shared>>) dst(%arg18 : memref<3200xf32, #tpu.memory_space<vmem>>)
      tpu.yield
    }) : () -> ()
    %mul3A_45 = arith.constant 307200 : i32
    %mul3A_46 = arith.muli %arg0, %mul3A_45 : i32
    %add3A_47 = arith.constant 102400 : i32
    %add3A_48 = arith.addi %mul3A_46, %add3A_47 : i32
    %add3A_49 = arith.addi %add3A_48, %mul3A_2 : i32
    "tpu.region"() ({
      %run_scoped3A = tpu.sem_alloc : memref<!tpu.dma_semaphore, #tpu.memory_space<semaphore_mem>>
      %dma_start3A = tpu.memref_slice %arg10[%add3A_49] : memref<614400xf32, #tpu.memory_space<hbm>> -> memref<3200xf32, #tpu.memory_space<hbm>>
      %dma_start3A_65 = tpu.memref_slice %arg10[%add3A_49] : memref<614400xf32, #tpu.memory_space<hbm>> -> memref<3200xf32, #tpu.memory_space<hbm>>
      tpu.enqueue_dma source(%arg18 : memref<3200xf32, #tpu.memory_space<vmem>>) target(%dma_start3A_65 : memref<3200xf32, #tpu.memory_space<hbm>>) target_semaphore(%run_scoped3A : memref<!tpu.dma_semaphore, #tpu.memory_space<semaphore_mem>>)
      %dma_wait3A = tpu.memref_slice %arg10[%add3A_49] : memref<614400xf32, #tpu.memory_space<hbm>> -> memref<3200xf32, #tpu.memory_space<hbm>>
      %dma_wait3A_66 = tpu.memref_slice %arg10[%add3A_49] : memref<614400xf32, #tpu.memory_space<hbm>> -> memref<3200xf32, #tpu.memory_space<hbm>>
      tpu.wait_dma2 semaphore(%run_scoped3A : memref<!tpu.dma_semaphore, #tpu.memory_space<semaphore_mem>>) src(%arg18 : memref<3200xf32, #tpu.memory_space<vmem>>) dst(%dma_wait3A_66 : memref<3200xf32, #tpu.memory_space<hbm>>)
      tpu.yield
    }) : () -> ()
    "tpu.region"() ({
      %run_scoped3A = tpu.sem_alloc : memref<!tpu.dma_semaphore, #tpu.memory_space<semaphore_mem>>
      %dma_start3A = tpu.memref_slice %arg27[%mul3A_2] : memref<51200xf32, #tpu.memory_space<vmem_shared>> -> memref<3200xf32, #tpu.memory_space<vmem_shared>>
      %dma_start3A_65 = tpu.memref_slice %arg27[%mul3A_2] : memref<51200xf32, #tpu.memory_space<vmem_shared>> -> memref<3200xf32, #tpu.memory_space<vmem_shared>>
      tpu.enqueue_dma source(%dma_start3A_65 : memref<3200xf32, #tpu.memory_space<vmem_shared>>) target(%arg18 : memref<3200xf32, #tpu.memory_space<vmem>>) target_semaphore(%run_scoped3A : memref<!tpu.dma_semaphore, #tpu.memory_space<semaphore_mem>>)
      %dma_wait3A = tpu.memref_slice %arg27[%mul3A_2] : memref<51200xf32, #tpu.memory_space<vmem_shared>> -> memref<3200xf32, #tpu.memory_space<vmem_shared>>
      %dma_wait3A_66 = tpu.memref_slice %arg27[%mul3A_2] : memref<51200xf32, #tpu.memory_space<vmem_shared>> -> memref<3200xf32, #tpu.memory_space<vmem_shared>>
      tpu.wait_dma2 semaphore(%run_scoped3A : memref<!tpu.dma_semaphore, #tpu.memory_space<semaphore_mem>>) src(%dma_wait3A_66 : memref<3200xf32, #tpu.memory_space<vmem_shared>>) dst(%arg18 : memref<3200xf32, #tpu.memory_space<vmem>>)
      tpu.yield
    }) : () -> ()
    %mul3A_50 = arith.constant 307200 : i32
    %mul3A_51 = arith.muli %arg0, %mul3A_50 : i32
    %add3A_52 = arith.constant 153600 : i32
    %add3A_53 = arith.addi %mul3A_51, %add3A_52 : i32
    %add3A_54 = arith.addi %add3A_53, %mul3A_2 : i32
    "tpu.region"() ({
      %run_scoped3A = tpu.sem_alloc : memref<!tpu.dma_semaphore, #tpu.memory_space<semaphore_mem>>
      %dma_start3A = tpu.memref_slice %arg10[%add3A_54] : memref<614400xf32, #tpu.memory_space<hbm>> -> memref<3200xf32, #tpu.memory_space<hbm>>
      %dma_start3A_65 = tpu.memref_slice %arg10[%add3A_54] : memref<614400xf32, #tpu.memory_space<hbm>> -> memref<3200xf32, #tpu.memory_space<hbm>>
      tpu.enqueue_dma source(%arg18 : memref<3200xf32, #tpu.memory_space<vmem>>) target(%dma_start3A_65 : memref<3200xf32, #tpu.memory_space<hbm>>) target_semaphore(%run_scoped3A : memref<!tpu.dma_semaphore, #tpu.memory_space<semaphore_mem>>)
      %dma_wait3A = tpu.memref_slice %arg10[%add3A_54] : memref<614400xf32, #tpu.memory_space<hbm>> -> memref<3200xf32, #tpu.memory_space<hbm>>
      %dma_wait3A_66 = tpu.memref_slice %arg10[%add3A_54] : memref<614400xf32, #tpu.memory_space<hbm>> -> memref<3200xf32, #tpu.memory_space<hbm>>
      tpu.wait_dma2 semaphore(%run_scoped3A : memref<!tpu.dma_semaphore, #tpu.memory_space<semaphore_mem>>) src(%arg18 : memref<3200xf32, #tpu.memory_space<vmem>>) dst(%dma_wait3A_66 : memref<3200xf32, #tpu.memory_space<hbm>>)
      tpu.yield
    }) : () -> ()
    "tpu.region"() ({
      %run_scoped3A = tpu.sem_alloc : memref<!tpu.dma_semaphore, #tpu.memory_space<semaphore_mem>>
      %dma_start3A = tpu.memref_slice %arg28[%mul3A_2] : memref<51200xf32, #tpu.memory_space<vmem_shared>> -> memref<3200xf32, #tpu.memory_space<vmem_shared>>
      %dma_start3A_65 = tpu.memref_slice %arg28[%mul3A_2] : memref<51200xf32, #tpu.memory_space<vmem_shared>> -> memref<3200xf32, #tpu.memory_space<vmem_shared>>
      tpu.enqueue_dma source(%dma_start3A_65 : memref<3200xf32, #tpu.memory_space<vmem_shared>>) target(%arg18 : memref<3200xf32, #tpu.memory_space<vmem>>) target_semaphore(%run_scoped3A : memref<!tpu.dma_semaphore, #tpu.memory_space<semaphore_mem>>)
      %dma_wait3A = tpu.memref_slice %arg28[%mul3A_2] : memref<51200xf32, #tpu.memory_space<vmem_shared>> -> memref<3200xf32, #tpu.memory_space<vmem_shared>>
      %dma_wait3A_66 = tpu.memref_slice %arg28[%mul3A_2] : memref<51200xf32, #tpu.memory_space<vmem_shared>> -> memref<3200xf32, #tpu.memory_space<vmem_shared>>
      tpu.wait_dma2 semaphore(%run_scoped3A : memref<!tpu.dma_semaphore, #tpu.memory_space<semaphore_mem>>) src(%dma_wait3A_66 : memref<3200xf32, #tpu.memory_space<vmem_shared>>) dst(%arg18 : memref<3200xf32, #tpu.memory_space<vmem>>)
      tpu.yield
    }) : () -> ()
    %mul3A_55 = arith.constant 307200 : i32
    %mul3A_56 = arith.muli %arg0, %mul3A_55 : i32
    %add3A_57 = arith.constant 204800 : i32
    %add3A_58 = arith.addi %mul3A_56, %add3A_57 : i32
    %add3A_59 = arith.addi %add3A_58, %mul3A_2 : i32
    "tpu.region"() ({
      %run_scoped3A = tpu.sem_alloc : memref<!tpu.dma_semaphore, #tpu.memory_space<semaphore_mem>>
      %dma_start3A = tpu.memref_slice %arg10[%add3A_59] : memref<614400xf32, #tpu.memory_space<hbm>> -> memref<3200xf32, #tpu.memory_space<hbm>>
      %dma_start3A_65 = tpu.memref_slice %arg10[%add3A_59] : memref<614400xf32, #tpu.memory_space<hbm>> -> memref<3200xf32, #tpu.memory_space<hbm>>
      tpu.enqueue_dma source(%arg18 : memref<3200xf32, #tpu.memory_space<vmem>>) target(%dma_start3A_65 : memref<3200xf32, #tpu.memory_space<hbm>>) target_semaphore(%run_scoped3A : memref<!tpu.dma_semaphore, #tpu.memory_space<semaphore_mem>>)
      %dma_wait3A = tpu.memref_slice %arg10[%add3A_59] : memref<614400xf32, #tpu.memory_space<hbm>> -> memref<3200xf32, #tpu.memory_space<hbm>>
      %dma_wait3A_66 = tpu.memref_slice %arg10[%add3A_59] : memref<614400xf32, #tpu.memory_space<hbm>> -> memref<3200xf32, #tpu.memory_space<hbm>>
      tpu.wait_dma2 semaphore(%run_scoped3A : memref<!tpu.dma_semaphore, #tpu.memory_space<semaphore_mem>>) src(%arg18 : memref<3200xf32, #tpu.memory_space<vmem>>) dst(%dma_wait3A_66 : memref<3200xf32, #tpu.memory_space<hbm>>)
      tpu.yield
    }) : () -> ()
    "tpu.region"() ({
      %run_scoped3A = tpu.sem_alloc : memref<!tpu.dma_semaphore, #tpu.memory_space<semaphore_mem>>
      %dma_start3A = tpu.memref_slice %arg29[%mul3A_2] : memref<51200xf32, #tpu.memory_space<vmem_shared>> -> memref<3200xf32, #tpu.memory_space<vmem_shared>>
      %dma_start3A_65 = tpu.memref_slice %arg29[%mul3A_2] : memref<51200xf32, #tpu.memory_space<vmem_shared>> -> memref<3200xf32, #tpu.memory_space<vmem_shared>>
      tpu.enqueue_dma source(%dma_start3A_65 : memref<3200xf32, #tpu.memory_space<vmem_shared>>) target(%arg18 : memref<3200xf32, #tpu.memory_space<vmem>>) target_semaphore(%run_scoped3A : memref<!tpu.dma_semaphore, #tpu.memory_space<semaphore_mem>>)
      %dma_wait3A = tpu.memref_slice %arg29[%mul3A_2] : memref<51200xf32, #tpu.memory_space<vmem_shared>> -> memref<3200xf32, #tpu.memory_space<vmem_shared>>
      %dma_wait3A_66 = tpu.memref_slice %arg29[%mul3A_2] : memref<51200xf32, #tpu.memory_space<vmem_shared>> -> memref<3200xf32, #tpu.memory_space<vmem_shared>>
      tpu.wait_dma2 semaphore(%run_scoped3A : memref<!tpu.dma_semaphore, #tpu.memory_space<semaphore_mem>>) src(%dma_wait3A_66 : memref<3200xf32, #tpu.memory_space<vmem_shared>>) dst(%arg18 : memref<3200xf32, #tpu.memory_space<vmem>>)
      tpu.yield
    }) : () -> ()
    %mul3A_60 = arith.constant 307200 : i32
    %mul3A_61 = arith.muli %arg0, %mul3A_60 : i32
    %add3A_62 = arith.constant 256000 : i32
    %add3A_63 = arith.addi %mul3A_61, %add3A_62 : i32
    %add3A_64 = arith.addi %add3A_63, %mul3A_2 : i32
    "tpu.region"() ({
      %run_scoped3A = tpu.sem_alloc : memref<!tpu.dma_semaphore, #tpu.memory_space<semaphore_mem>>
      %dma_start3A = tpu.memref_slice %arg10[%add3A_64] : memref<614400xf32, #tpu.memory_space<hbm>> -> memref<3200xf32, #tpu.memory_space<hbm>>
      %dma_start3A_65 = tpu.memref_slice %arg10[%add3A_64] : memref<614400xf32, #tpu.memory_space<hbm>> -> memref<3200xf32, #tpu.memory_space<hbm>>
      tpu.enqueue_dma source(%arg18 : memref<3200xf32, #tpu.memory_space<vmem>>) target(%dma_start3A_65 : memref<3200xf32, #tpu.memory_space<hbm>>) target_semaphore(%run_scoped3A : memref<!tpu.dma_semaphore, #tpu.memory_space<semaphore_mem>>)
      %dma_wait3A = tpu.memref_slice %arg10[%add3A_64] : memref<614400xf32, #tpu.memory_space<hbm>> -> memref<3200xf32, #tpu.memory_space<hbm>>
      %dma_wait3A_66 = tpu.memref_slice %arg10[%add3A_64] : memref<614400xf32, #tpu.memory_space<hbm>> -> memref<3200xf32, #tpu.memory_space<hbm>>
      tpu.wait_dma2 semaphore(%run_scoped3A : memref<!tpu.dma_semaphore, #tpu.memory_space<semaphore_mem>>) src(%arg18 : memref<3200xf32, #tpu.memory_space<vmem>>) dst(%dma_wait3A_66 : memref<3200xf32, #tpu.memory_space<hbm>>)
      tpu.yield
    }) : () -> ()
    return
  }
}

module attributes {stable_mosaic.version = 14 : i64} {
  func.func @_enc_node_body(%arg0: i32, %arg1: memref<83x1024xf32, #tpu.memory_space<vmem>>, %arg2: memref<83x64xf32, #tpu.memory_space<vmem>>, %arg3: memref<64x1xf32, #tpu.memory_space<vmem>>, %arg4: memref<64x32xf32, #tpu.memory_space<vmem>>, %arg5: memref<32x1xf32, #tpu.memory_space<vmem>>, %arg6: memref<32x2xf32, #tpu.memory_space<vmem>>, %arg7: memref<32x1024xf32, #tpu.memory_space<vmem>>, %arg8: memref<1024xf32, #tpu.memory_space<vmem>>, %arg9: memref<1024xf32, #tpu.memory_space<vmem>>) attributes {dimension_semantics = [#tpu.dimension_semantics<arbitrary>], iteration_bounds = array<i64: 49>, scalar_prefetch = 0 : i64, scratch_operands = 0 : i64, tpu.core_type = #tpu.core_type<tc>, window_params = [{transform_indices = @transform_0, window_bounds = array<i64: 83, 1024>}, {pipeline_mode = #tpu.pipeline_mode<synchronous>, transform_indices = @transform_1, window_bounds = array<i64: 83, 64>}, {pipeline_mode = #tpu.pipeline_mode<synchronous>, transform_indices = @transform_2, window_bounds = array<i64: 64, 1>}, {pipeline_mode = #tpu.pipeline_mode<synchronous>, transform_indices = @transform_3, window_bounds = array<i64: 64, 32>}, {pipeline_mode = #tpu.pipeline_mode<synchronous>, transform_indices = @transform_4, window_bounds = array<i64: 32, 1>}, {pipeline_mode = #tpu.pipeline_mode<synchronous>, transform_indices = @transform_5, window_bounds = array<i64: 32, 2>}, {transform_indices = @transform_6, window_bounds = array<i64: 32, 1024>}, {transform_indices = @transform_7, window_bounds = array<i64: 1024>}, {transform_indices = @transform_8, window_bounds = array<i64: 1024>}]} {
    %get3A = arith.constant 0 : index
    %get3A_0 = arith.constant 0 : index
    %get3A_1 = vector.load %arg2[%get3A, %get3A_0] : memref<83x64xf32, #tpu.memory_space<vmem>>, vector<83x64xf32>
    %get3A_2 = arith.constant 0 : index
    %get3A_3 = arith.constant 0 : index
    %get3A_4 = vector.load %arg1[%get3A_2, %get3A_3] : memref<83x1024xf32, #tpu.memory_space<vmem>>, vector<83x1024xf32>
    %dot_general3A = arith.constant dense<0.000000e+00> : vector<64x1024xf32>
    %dot_general3A_5 = tpu.matmul %get3A_1, %get3A_4, %dot_general3A {dimension_numbers = #tpu.dot_dimension_numbers<[0], [0], [1], [1], [0, 1, 1, 1], [], []>, transpose_lhs_hint = false} : vector<83x64xf32>, vector<83x1024xf32>, vector<64x1024xf32> -> vector<64x1024xf32>
    %get3A_6 = arith.constant 0 : index
    %get3A_7 = arith.constant 0 : index
    %get3A_8 = vector.load %arg3[%get3A_6, %get3A_7] : memref<64x1xf32, #tpu.memory_space<vmem>>, vector<64x1xf32>
    %add3A = vector.broadcast %get3A_8 : vector<64x1xf32> to vector<64x1024xf32>
    %add3A_9 = arith.addf %dot_general3A_5, %add3A : vector<64x1024xf32>
    %max3A = arith.constant 0.000000e+00 : f32
    %max3A_10 = vector.broadcast %max3A : f32 to vector<64x1024xf32>
    %max3A_11 = arith.maximumf %add3A_9, %max3A_10 : vector<64x1024xf32>
    %get3A_12 = arith.constant 0 : index
    %get3A_13 = arith.constant 0 : index
    %get3A_14 = vector.load %arg4[%get3A_12, %get3A_13] : memref<64x32xf32, #tpu.memory_space<vmem>>, vector<64x32xf32>
    %dot_general3A_15 = arith.constant dense<0.000000e+00> : vector<32x1024xf32>
    %dot_general3A_16 = tpu.matmul %get3A_14, %max3A_11, %dot_general3A_15 {dimension_numbers = #tpu.dot_dimension_numbers<[0], [0], [1], [1], [0, 1, 1, 1], [], []>, transpose_lhs_hint = false} : vector<64x32xf32>, vector<64x1024xf32>, vector<32x1024xf32> -> vector<32x1024xf32>
    %get3A_17 = arith.constant 0 : index
    %get3A_18 = arith.constant 0 : index
    %get3A_19 = vector.load %arg5[%get3A_17, %get3A_18] : memref<32x1xf32, #tpu.memory_space<vmem>>, vector<32x1xf32>
    %add3A_20 = vector.broadcast %get3A_19 : vector<32x1xf32> to vector<32x1024xf32>
    %add3A_21 = arith.addf %dot_general3A_16, %add3A_20 : vector<32x1024xf32>
    %max3A_22 = arith.constant 0.000000e+00 : f32
    %max3A_23 = vector.broadcast %max3A_22 : f32 to vector<32x1024xf32>
    %max3A_24 = arith.maximumf %add3A_21, %max3A_23 : vector<32x1024xf32>
    %swap3A = arith.constant 0 : index
    %swap3A_25 = arith.constant 0 : index
    %swap3A_26 = vector.load %arg7[%swap3A, %swap3A_25] : memref<32x1024xf32, #tpu.memory_space<vmem>>, vector<32x1024xf32>
    tpu.vector_store %arg7[%swap3A, %swap3A_25], %max3A_24 {strides = array<i32>} : memref<32x1024xf32, #tpu.memory_space<vmem>>, vector<32x1024xf32>,
    %get3A_27 = arith.constant 0 : index
    %get3A_28 = arith.constant 0 : index
    %get3A_29 = vector.load %arg6[%get3A_27, %get3A_28] : memref<32x2xf32, #tpu.memory_space<vmem>>, vector<32x2xf32>
    %dot_general3A_30 = arith.constant dense<0.000000e+00> : vector<2x1024xf32>
    %dot_general3A_31 = tpu.matmul %get3A_29, %max3A_24, %dot_general3A_30 {dimension_numbers = #tpu.dot_dimension_numbers<[0], [0], [1], [1], [0, 1, 1, 1], [], []>, transpose_lhs_hint = false} : vector<32x2xf32>, vector<32x1024xf32>, vector<2x1024xf32> -> vector<2x1024xf32>
    %slice3A = vector.extract_strided_slice %dot_general3A_31 {offsets = [0, 0], sizes = [1, 1024], strides = [1, 1]} : vector<2x1024xf32> to vector<1x1024xf32>
    %squeeze3A = vector.shape_cast %slice3A : vector<1x1024xf32> to vector<1024xf32>
    %swap3A_32 = arith.constant 0 : index
    %swap3A_33 = vector.load %arg8[%swap3A_32] : memref<1024xf32, #tpu.memory_space<vmem>>, vector<1024xf32>
    tpu.vector_store %arg8[%swap3A_32], %squeeze3A {strides = array<i32>} : memref<1024xf32, #tpu.memory_space<vmem>>, vector<1024xf32>,
    %slice3A_34 = vector.extract_strided_slice %dot_general3A_31 {offsets = [1, 0], sizes = [1, 1024], strides = [1, 1]} : vector<2x1024xf32> to vector<1x1024xf32>
    %squeeze3A_35 = vector.shape_cast %slice3A_34 : vector<1x1024xf32> to vector<1024xf32>
    %swap3A_36 = arith.constant 0 : index
    %swap3A_37 = vector.load %arg9[%swap3A_36] : memref<1024xf32, #tpu.memory_space<vmem>>, vector<1024xf32>
    tpu.vector_store %arg9[%swap3A_36], %squeeze3A_35 {strides = array<i32>} : memref<1024xf32, #tpu.memory_space<vmem>>, vector<1024xf32>,
    return
  }
  func.func @transform_0(%arg0: i32) -> (i32, i32) {
    %c0_i32 = arith.constant 0 : i32
    %c0_i32_0 = arith.constant 0 : i32
    return %c0_i32, %arg0 : i32, i32
  }
  func.func @transform_1(%arg0: i32) -> (i32, i32) {
    %c0_i32 = arith.constant 0 : i32
    %c0_i32_0 = arith.constant 0 : i32
    %c0_i32_1 = arith.constant 0 : i32
    return %c0_i32, %c0_i32_0 : i32, i32
  }
  func.func @transform_2(%arg0: i32) -> (i32, i32) {
    %c0_i32 = arith.constant 0 : i32
    %c0_i32_0 = arith.constant 0 : i32
    %c0_i32_1 = arith.constant 0 : i32
    return %c0_i32, %c0_i32_0 : i32, i32
  }
  func.func @transform_3(%arg0: i32) -> (i32, i32) {
    %c0_i32 = arith.constant 0 : i32
    %c0_i32_0 = arith.constant 0 : i32
    %c0_i32_1 = arith.constant 0 : i32
    return %c0_i32, %c0_i32_0 : i32, i32
  }
  func.func @transform_4(%arg0: i32) -> (i32, i32) {
    %c0_i32 = arith.constant 0 : i32
    %c0_i32_0 = arith.constant 0 : i32
    %c0_i32_1 = arith.constant 0 : i32
    return %c0_i32, %c0_i32_0 : i32, i32
  }
  func.func @transform_5(%arg0: i32) -> (i32, i32) {
    %c0_i32 = arith.constant 0 : i32
    %c0_i32_0 = arith.constant 0 : i32
    %c0_i32_1 = arith.constant 0 : i32
    return %c0_i32, %c0_i32_0 : i32, i32
  }
  func.func @transform_6(%arg0: i32) -> (i32, i32) {
    %c0_i32 = arith.constant 0 : i32
    %c0_i32_0 = arith.constant 0 : i32
    return %c0_i32, %arg0 : i32, i32
  }
  func.func @transform_7(%arg0: i32) -> i32 {
    %c0_i32 = arith.constant 0 : i32
    return %arg0 : i32
  }
  func.func @transform_8(%arg0: i32) -> i32 {
    %c0_i32 = arith.constant 0 : i32
    return %arg0 : i32
  }
}

module attributes {stable_mosaic.version = 14 : i64} {
  func.func @_enc_edge_body(%arg0: i32, %arg1: memref<16384xf32, #tpu.memory_space<vmem>>, %arg2: memref<16384xf32, #tpu.memory_space<vmem>>, %arg3: memref<2x4xf32, #tpu.memory_space<vmem>>, %arg4: memref<1x4xf32, #tpu.memory_space<vmem>>, %arg5: memref<4x16xf32, #tpu.memory_space<vmem>>, %arg6: memref<1x16xf32, #tpu.memory_space<vmem>>, %arg7: memref<16x2xf32, #tpu.memory_space<vmem>>, %arg8: memref<1x2xf32, #tpu.memory_space<vmem>>, %arg9: memref<16384xf32, #tpu.memory_space<vmem>>, %arg10: memref<16384xf32, #tpu.memory_space<vmem>>) attributes {dimension_semantics = [#tpu.dimension_semantics<arbitrary>], iteration_bounds = array<i64: 50>, scalar_prefetch = 0 : i64, scratch_operands = 0 : i64, tpu.core_type = #tpu.core_type<tc>, window_params = [{transform_indices = @transform_0, window_bounds = array<i64: 16384>}, {transform_indices = @transform_1, window_bounds = array<i64: 16384>}, {pipeline_mode = #tpu.pipeline_mode<synchronous>, transform_indices = @transform_2, window_bounds = array<i64: 2, 4>}, {pipeline_mode = #tpu.pipeline_mode<synchronous>, transform_indices = @transform_3, window_bounds = array<i64: 1, 4>}, {pipeline_mode = #tpu.pipeline_mode<synchronous>, transform_indices = @transform_4, window_bounds = array<i64: 4, 16>}, {pipeline_mode = #tpu.pipeline_mode<synchronous>, transform_indices = @transform_5, window_bounds = array<i64: 1, 16>}, {pipeline_mode = #tpu.pipeline_mode<synchronous>, transform_indices = @transform_6, window_bounds = array<i64: 16, 2>}, {pipeline_mode = #tpu.pipeline_mode<synchronous>, transform_indices = @transform_7, window_bounds = array<i64: 1, 2>}, {transform_indices = @transform_8, window_bounds = array<i64: 16384>}, {transform_indices = @transform_9, window_bounds = array<i64: 16384>}]} {
    %get3A = arith.constant 0 : index
    %get3A_0 = vector.load %arg1[%get3A] : memref<16384xf32, #tpu.memory_space<vmem>>, vector<16384xf32>
    %get3A_1 = arith.constant 0 : index
    %get3A_2 = vector.load %arg2[%get3A_1] : memref<16384xf32, #tpu.memory_space<vmem>>, vector<16384xf32>
    %get3A_3 = arith.constant 0 : index
    %get3A_4 = arith.constant 0 : index
    %get3A_5 = vector.load %arg3[%get3A_3, %get3A_4] : memref<2x4xf32, #tpu.memory_space<vmem>>, vector<1x1xf32>
    %get3A_6 = vector.extract %get3A_5[0, 0] : f32 from vector<1x1xf32>
    %mul3A = vector.broadcast %get3A_6 : f32 to vector<16384xf32>
    %mul3A_7 = arith.mulf %get3A_0, %mul3A : vector<16384xf32>
    %get3A_8 = arith.constant 1 : index
    %get3A_9 = arith.constant 0 : index
    %get3A_10 = vector.load %arg3[%get3A_8, %get3A_9] : memref<2x4xf32, #tpu.memory_space<vmem>>, vector<1x1xf32>
    %get3A_11 = vector.extract %get3A_10[0, 0] : f32 from vector<1x1xf32>
    %mul3A_12 = vector.broadcast %get3A_11 : f32 to vector<16384xf32>
    %mul3A_13 = arith.mulf %get3A_2, %mul3A_12 : vector<16384xf32>
    %add3A = arith.addf %mul3A_7, %mul3A_13 : vector<16384xf32>
    %get3A_14 = arith.constant 0 : index
    %get3A_15 = arith.constant 0 : index
    %get3A_16 = vector.load %arg4[%get3A_14, %get3A_15] : memref<1x4xf32, #tpu.memory_space<vmem>>, vector<1x1xf32>
    %get3A_17 = vector.extract %get3A_16[0, 0] : f32 from vector<1x1xf32>
    %add3A_18 = vector.broadcast %get3A_17 : f32 to vector<16384xf32>
    %add3A_19 = arith.addf %add3A, %add3A_18 : vector<16384xf32>
    %max3A = arith.constant 0.000000e+00 : f32
    %max3A_20 = vector.broadcast %max3A : f32 to vector<16384xf32>
    %max3A_21 = arith.maximumf %add3A_19, %max3A_20 : vector<16384xf32>
    %get3A_22 = arith.constant 0 : index
    %get3A_23 = arith.constant 1 : index
    %get3A_24 = vector.load %arg3[%get3A_22, %get3A_23] : memref<2x4xf32, #tpu.memory_space<vmem>>, vector<1x1xf32>
    %get3A_25 = vector.extract %get3A_24[0, 0] : f32 from vector<1x1xf32>
    %mul3A_26 = vector.broadcast %get3A_25 : f32 to vector<16384xf32>
    %mul3A_27 = arith.mulf %get3A_0, %mul3A_26 : vector<16384xf32>
    %get3A_28 = arith.constant 1 : index
    %get3A_29 = arith.constant 1 : index
    %get3A_30 = vector.load %arg3[%get3A_28, %get3A_29] : memref<2x4xf32, #tpu.memory_space<vmem>>, vector<1x1xf32>
    %get3A_31 = vector.extract %get3A_30[0, 0] : f32 from vector<1x1xf32>
    %mul3A_32 = vector.broadcast %get3A_31 : f32 to vector<16384xf32>
    %mul3A_33 = arith.mulf %get3A_2, %mul3A_32 : vector<16384xf32>
    %add3A_34 = arith.addf %mul3A_27, %mul3A_33 : vector<16384xf32>
    %get3A_35 = arith.constant 0 : index
    %get3A_36 = arith.constant 1 : index
    %get3A_37 = vector.load %arg4[%get3A_35, %get3A_36] : memref<1x4xf32, #tpu.memory_space<vmem>>, vector<1x1xf32>
    %get3A_38 = vector.extract %get3A_37[0, 0] : f32 from vector<1x1xf32>
    %add3A_39 = vector.broadcast %get3A_38 : f32 to vector<16384xf32>
    %add3A_40 = arith.addf %add3A_34, %add3A_39 : vector<16384xf32>
    %max3A_41 = arith.constant 0.000000e+00 : f32
    %max3A_42 = vector.broadcast %max3A_41 : f32 to vector<16384xf32>
    %max3A_43 = arith.maximumf %add3A_40, %max3A_42 : vector<16384xf32>
    %get3A_44 = arith.constant 0 : index
    %get3A_45 = arith.constant 2 : index
    %get3A_46 = vector.load %arg3[%get3A_44, %get3A_45] : memref<2x4xf32, #tpu.memory_space<vmem>>, vector<1x1xf32>
    %get3A_47 = vector.extract %get3A_46[0, 0] : f32 from vector<1x1xf32>
    %mul3A_48 = vector.broadcast %get3A_47 : f32 to vector<16384xf32>
    %mul3A_49 = arith.mulf %get3A_0, %mul3A_48 : vector<16384xf32>
    %get3A_50 = arith.constant 1 : index
    %get3A_51 = arith.constant 2 : index
    %get3A_52 = vector.load %arg3[%get3A_50, %get3A_51] : memref<2x4xf32, #tpu.memory_space<vmem>>, vector<1x1xf32>
    %get3A_53 = vector.extract %get3A_52[0, 0] : f32 from vector<1x1xf32>
    %mul3A_54 = vector.broadcast %get3A_53 : f32 to vector<16384xf32>
    %mul3A_55 = arith.mulf %get3A_2, %mul3A_54 : vector<16384xf32>
    %add3A_56 = arith.addf %mul3A_49, %mul3A_55 : vector<16384xf32>
    %get3A_57 = arith.constant 0 : index
    %get3A_58 = arith.constant 2 : index
    %get3A_59 = vector.load %arg4[%get3A_57, %get3A_58] : memref<1x4xf32, #tpu.memory_space<vmem>>, vector<1x1xf32>
    %get3A_60 = vector.extract %get3A_59[0, 0] : f32 from vector<1x1xf32>
    %add3A_61 = vector.broadcast %get3A_60 : f32 to vector<16384xf32>
    %add3A_62 = arith.addf %add3A_56, %add3A_61 : vector<16384xf32>
    %max3A_63 = arith.constant 0.000000e+00 : f32
    %max3A_64 = vector.broadcast %max3A_63 : f32 to vector<16384xf32>
    %max3A_65 = arith.maximumf %add3A_62, %max3A_64 : vector<16384xf32>
    %get3A_66 = arith.constant 0 : index
    %get3A_67 = arith.constant 3 : index
    %get3A_68 = vector.load %arg3[%get3A_66, %get3A_67] : memref<2x4xf32, #tpu.memory_space<vmem>>, vector<1x1xf32>
    %get3A_69 = vector.extract %get3A_68[0, 0] : f32 from vector<1x1xf32>
    %mul3A_70 = vector.broadcast %get3A_69 : f32 to vector<16384xf32>
    %mul3A_71 = arith.mulf %get3A_0, %mul3A_70 : vector<16384xf32>
    %get3A_72 = arith.constant 1 : index
    %get3A_73 = arith.constant 3 : index
    %get3A_74 = vector.load %arg3[%get3A_72, %get3A_73] : memref<2x4xf32, #tpu.memory_space<vmem>>, vector<1x1xf32>
    %get3A_75 = vector.extract %get3A_74[0, 0] : f32 from vector<1x1xf32>
    %mul3A_76 = vector.broadcast %get3A_75 : f32 to vector<16384xf32>
    %mul3A_77 = arith.mulf %get3A_2, %mul3A_76 : vector<16384xf32>
    %add3A_78 = arith.addf %mul3A_71, %mul3A_77 : vector<16384xf32>
    %get3A_79 = arith.constant 0 : index
    %get3A_80 = arith.constant 3 : index
    %get3A_81 = vector.load %arg4[%get3A_79, %get3A_80] : memref<1x4xf32, #tpu.memory_space<vmem>>, vector<1x1xf32>
    %get3A_82 = vector.extract %get3A_81[0, 0] : f32 from vector<1x1xf32>
    %add3A_83 = vector.broadcast %get3A_82 : f32 to vector<16384xf32>
    %add3A_84 = arith.addf %add3A_78, %add3A_83 : vector<16384xf32>
    %max3A_85 = arith.constant 0.000000e+00 : f32
    %max3A_86 = vector.broadcast %max3A_85 : f32 to vector<16384xf32>
    %max3A_87 = arith.maximumf %add3A_84, %max3A_86 : vector<16384xf32>
    %get3A_88 = arith.constant 0 : index
    %get3A_89 = arith.constant 0 : index
    %get3A_90 = vector.load %arg5[%get3A_88, %get3A_89] : memref<4x16xf32, #tpu.memory_space<vmem>>, vector<1x1xf32>
    %get3A_91 = vector.extract %get3A_90[0, 0] : f32 from vector<1x1xf32>
    %mul3A_92 = vector.broadcast %get3A_91 : f32 to vector<16384xf32>
    %mul3A_93 = arith.mulf %max3A_21, %mul3A_92 : vector<16384xf32>
    %get3A_94 = arith.constant 1 : index
    %get3A_95 = arith.constant 0 : index
    %get3A_96 = vector.load %arg5[%get3A_94, %get3A_95] : memref<4x16xf32, #tpu.memory_space<vmem>>, vector<1x1xf32>
    %get3A_97 = vector.extract %get3A_96[0, 0] : f32 from vector<1x1xf32>
    %mul3A_98 = vector.broadcast %get3A_97 : f32 to vector<16384xf32>
    %mul3A_99 = arith.mulf %max3A_43, %mul3A_98 : vector<16384xf32>
    %add3A_100 = arith.addf %mul3A_93, %mul3A_99 : vector<16384xf32>
    %get3A_101 = arith.constant 2 : index
    %get3A_102 = arith.constant 0 : index
    %get3A_103 = vector.load %arg5[%get3A_101, %get3A_102] : memref<4x16xf32, #tpu.memory_space<vmem>>, vector<1x1xf32>
    %get3A_104 = vector.extract %get3A_103[0, 0] : f32 from vector<1x1xf32>
    %mul3A_105 = vector.broadcast %get3A_104 : f32 to vector<16384xf32>
    %mul3A_106 = arith.mulf %max3A_65, %mul3A_105 : vector<16384xf32>
    %add3A_107 = arith.addf %add3A_100, %mul3A_106 : vector<16384xf32>
    %get3A_108 = arith.constant 3 : index
    %get3A_109 = arith.constant 0 : index
    %get3A_110 = vector.load %arg5[%get3A_108, %get3A_109] : memref<4x16xf32, #tpu.memory_space<vmem>>, vector<1x1xf32>
    %get3A_111 = vector.extract %get3A_110[0, 0] : f32 from vector<1x1xf32>
    %mul3A_112 = vector.broadcast %get3A_111 : f32 to vector<16384xf32>
    %mul3A_113 = arith.mulf %max3A_87, %mul3A_112 : vector<16384xf32>
    %add3A_114 = arith.addf %add3A_107, %mul3A_113 : vector<16384xf32>
    %get3A_115 = arith.constant 0 : index
    %get3A_116 = arith.constant 0 : index
    %get3A_117 = vector.load %arg6[%get3A_115, %get3A_116] : memref<1x16xf32, #tpu.memory_space<vmem>>, vector<1x1xf32>
    %get3A_118 = vector.extract %get3A_117[0, 0] : f32 from vector<1x1xf32>
    %add3A_119 = vector.broadcast %get3A_118 : f32 to vector<16384xf32>
    %add3A_120 = arith.addf %add3A_114, %add3A_119 : vector<16384xf32>
    %max3A_121 = arith.constant 0.000000e+00 : f32
    %max3A_122 = vector.broadcast %max3A_121 : f32 to vector<16384xf32>
    %max3A_123 = arith.maximumf %add3A_120, %max3A_122 : vector<16384xf32>
    %get3A_124 = arith.constant 0 : index
    %get3A_125 = arith.constant 1 : index
    %get3A_126 = vector.load %arg5[%get3A_124, %get3A_125] : memref<4x16xf32, #tpu.memory_space<vmem>>, vector<1x1xf32>
    %get3A_127 = vector.extract %get3A_126[0, 0] : f32 from vector<1x1xf32>
    %mul3A_128 = vector.broadcast %get3A_127 : f32 to vector<16384xf32>
    %mul3A_129 = arith.mulf %max3A_21, %mul3A_128 : vector<16384xf32>
    %get3A_130 = arith.constant 1 : index
    %get3A_131 = arith.constant 1 : index
    %get3A_132 = vector.load %arg5[%get3A_130, %get3A_131] : memref<4x16xf32, #tpu.memory_space<vmem>>, vector<1x1xf32>
    %get3A_133 = vector.extract %get3A_132[0, 0] : f32 from vector<1x1xf32>
    %mul3A_134 = vector.broadcast %get3A_133 : f32 to vector<16384xf32>
    %mul3A_135 = arith.mulf %max3A_43, %mul3A_134 : vector<16384xf32>
    %add3A_136 = arith.addf %mul3A_129, %mul3A_135 : vector<16384xf32>
    %get3A_137 = arith.constant 2 : index
    %get3A_138 = arith.constant 1 : index
    %get3A_139 = vector.load %arg5[%get3A_137, %get3A_138] : memref<4x16xf32, #tpu.memory_space<vmem>>, vector<1x1xf32>
    %get3A_140 = vector.extract %get3A_139[0, 0] : f32 from vector<1x1xf32>
    %mul3A_141 = vector.broadcast %get3A_140 : f32 to vector<16384xf32>
    %mul3A_142 = arith.mulf %max3A_65, %mul3A_141 : vector<16384xf32>
    %add3A_143 = arith.addf %add3A_136, %mul3A_142 : vector<16384xf32>
    %get3A_144 = arith.constant 3 : index
    %get3A_145 = arith.constant 1 : index
    %get3A_146 = vector.load %arg5[%get3A_144, %get3A_145] : memref<4x16xf32, #tpu.memory_space<vmem>>, vector<1x1xf32>
    %get3A_147 = vector.extract %get3A_146[0, 0] : f32 from vector<1x1xf32>
    %mul3A_148 = vector.broadcast %get3A_147 : f32 to vector<16384xf32>
    %mul3A_149 = arith.mulf %max3A_87, %mul3A_148 : vector<16384xf32>
    %add3A_150 = arith.addf %add3A_143, %mul3A_149 : vector<16384xf32>
    %get3A_151 = arith.constant 0 : index
    %get3A_152 = arith.constant 1 : index
    %get3A_153 = vector.load %arg6[%get3A_151, %get3A_152] : memref<1x16xf32, #tpu.memory_space<vmem>>, vector<1x1xf32>
    %get3A_154 = vector.extract %get3A_153[0, 0] : f32 from vector<1x1xf32>
    %add3A_155 = vector.broadcast %get3A_154 : f32 to vector<16384xf32>
    %add3A_156 = arith.addf %add3A_150, %add3A_155 : vector<16384xf32>
    %max3A_157 = arith.constant 0.000000e+00 : f32
    %max3A_158 = vector.broadcast %max3A_157 : f32 to vector<16384xf32>
    %max3A_159 = arith.maximumf %add3A_156, %max3A_158 : vector<16384xf32>
    %get3A_160 = arith.constant 0 : index
    %get3A_161 = arith.constant 2 : index
    %get3A_162 = vector.load %arg5[%get3A_160, %get3A_161] : memref<4x16xf32, #tpu.memory_space<vmem>>, vector<1x1xf32>
    %get3A_163 = vector.extract %get3A_162[0, 0] : f32 from vector<1x1xf32>
    %mul3A_164 = vector.broadcast %get3A_163 : f32 to vector<16384xf32>
    %mul3A_165 = arith.mulf %max3A_21, %mul3A_164 : vector<16384xf32>
    %get3A_166 = arith.constant 1 : index
    %get3A_167 = arith.constant 2 : index
    %get3A_168 = vector.load %arg5[%get3A_166, %get3A_167] : memref<4x16xf32, #tpu.memory_space<vmem>>, vector<1x1xf32>
    %get3A_169 = vector.extract %get3A_168[0, 0] : f32 from vector<1x1xf32>
    %mul3A_170 = vector.broadcast %get3A_169 : f32 to vector<16384xf32>
    %mul3A_171 = arith.mulf %max3A_43, %mul3A_170 : vector<16384xf32>
    %add3A_172 = arith.addf %mul3A_165, %mul3A_171 : vector<16384xf32>
    %get3A_173 = arith.constant 2 : index
    %get3A_174 = arith.constant 2 : index
    %get3A_175 = vector.load %arg5[%get3A_173, %get3A_174] : memref<4x16xf32, #tpu.memory_space<vmem>>, vector<1x1xf32>
    %get3A_176 = vector.extract %get3A_175[0, 0] : f32 from vector<1x1xf32>
    %mul3A_177 = vector.broadcast %get3A_176 : f32 to vector<16384xf32>
    %mul3A_178 = arith.mulf %max3A_65, %mul3A_177 : vector<16384xf32>
    %add3A_179 = arith.addf %add3A_172, %mul3A_178 : vector<16384xf32>
    %get3A_180 = arith.constant 3 : index
    %get3A_181 = arith.constant 2 : index
    %get3A_182 = vector.load %arg5[%get3A_180, %get3A_181] : memref<4x16xf32, #tpu.memory_space<vmem>>, vector<1x1xf32>
    %get3A_183 = vector.extract %get3A_182[0, 0] : f32 from vector<1x1xf32>
    %mul3A_184 = vector.broadcast %get3A_183 : f32 to vector<16384xf32>
    %mul3A_185 = arith.mulf %max3A_87, %mul3A_184 : vector<16384xf32>
    %add3A_186 = arith.addf %add3A_179, %mul3A_185 : vector<16384xf32>
    %get3A_187 = arith.constant 0 : index
    %get3A_188 = arith.constant 2 : index
    %get3A_189 = vector.load %arg6[%get3A_187, %get3A_188] : memref<1x16xf32, #tpu.memory_space<vmem>>, vector<1x1xf32>
    %get3A_190 = vector.extract %get3A_189[0, 0] : f32 from vector<1x1xf32>
    %add3A_191 = vector.broadcast %get3A_190 : f32 to vector<16384xf32>
    %add3A_192 = arith.addf %add3A_186, %add3A_191 : vector<16384xf32>
    %max3A_193 = arith.constant 0.000000e+00 : f32
    %max3A_194 = vector.broadcast %max3A_193 : f32 to vector<16384xf32>
    %max3A_195 = arith.maximumf %add3A_192, %max3A_194 : vector<16384xf32>
    %get3A_196 = arith.constant 0 : index
    %get3A_197 = arith.constant 3 : index
    %get3A_198 = vector.load %arg5[%get3A_196, %get3A_197] : memref<4x16xf32, #tpu.memory_space<vmem>>, vector<1x1xf32>
    %get3A_199 = vector.extract %get3A_198[0, 0] : f32 from vector<1x1xf32>
    %mul3A_200 = vector.broadcast %get3A_199 : f32 to vector<16384xf32>
    %mul3A_201 = arith.mulf %max3A_21, %mul3A_200 : vector<16384xf32>
    %get3A_202 = arith.constant 1 : index
    %get3A_203 = arith.constant 3 : index
    %get3A_204 = vector.load %arg5[%get3A_202, %get3A_203] : memref<4x16xf32, #tpu.memory_space<vmem>>, vector<1x1xf32>
    %get3A_205 = vector.extract %get3A_204[0, 0] : f32 from vector<1x1xf32>
    %mul3A_206 = vector.broadcast %get3A_205 : f32 to vector<16384xf32>
    %mul3A_207 = arith.mulf %max3A_43, %mul3A_206 : vector<16384xf32>
    %add3A_208 = arith.addf %mul3A_201, %mul3A_207 : vector<16384xf32>
    %get3A_209 = arith.constant 2 : index
    %get3A_210 = arith.constant 3 : index
    %get3A_211 = vector.load %arg5[%get3A_209, %get3A_210] : memref<4x16xf32, #tpu.memory_space<vmem>>, vector<1x1xf32>
    %get3A_212 = vector.extract %get3A_211[0, 0] : f32 from vector<1x1xf32>
    %mul3A_213 = vector.broadcast %get3A_212 : f32 to vector<16384xf32>
    %mul3A_214 = arith.mulf %max3A_65, %mul3A_213 : vector<16384xf32>
    %add3A_215 = arith.addf %add3A_208, %mul3A_214 : vector<16384xf32>
    %get3A_216 = arith.constant 3 : index
    %get3A_217 = arith.constant 3 : index
    %get3A_218 = vector.load %arg5[%get3A_216, %get3A_217] : memref<4x16xf32, #tpu.memory_space<vmem>>, vector<1x1xf32>
    %get3A_219 = vector.extract %get3A_218[0, 0] : f32 from vector<1x1xf32>
    %mul3A_220 = vector.broadcast %get3A_219 : f32 to vector<16384xf32>
    %mul3A_221 = arith.mulf %max3A_87, %mul3A_220 : vector<16384xf32>
    %add3A_222 = arith.addf %add3A_215, %mul3A_221 : vector<16384xf32>
    %get3A_223 = arith.constant 0 : index
    %get3A_224 = arith.constant 3 : index
    %get3A_225 = vector.load %arg6[%get3A_223, %get3A_224] : memref<1x16xf32, #tpu.memory_space<vmem>>, vector<1x1xf32>
    %get3A_226 = vector.extract %get3A_225[0, 0] : f32 from vector<1x1xf32>
    %add3A_227 = vector.broadcast %get3A_226 : f32 to vector<16384xf32>
    %add3A_228 = arith.addf %add3A_222, %add3A_227 : vector<16384xf32>
    %max3A_229 = arith.constant 0.000000e+00 : f32
    %max3A_230 = vector.broadcast %max3A_229 : f32 to vector<16384xf32>
    %max3A_231 = arith.maximumf %add3A_228, %max3A_230 : vector<16384xf32>
    %get3A_232 = arith.constant 0 : index
    %get3A_233 = arith.constant 4 : index
    %get3A_234 = vector.load %arg5[%get3A_232, %get3A_233] : memref<4x16xf32, #tpu.memory_space<vmem>>, vector<1x1xf32>
    %get3A_235 = vector.extract %get3A_234[0, 0] : f32 from vector<1x1xf32>
    %mul3A_236 = vector.broadcast %get3A_235 : f32 to vector<16384xf32>
    %mul3A_237 = arith.mulf %max3A_21, %mul3A_236 : vector<16384xf32>
    %get3A_238 = arith.constant 1 : index
    %get3A_239 = arith.constant 4 : index
    %get3A_240 = vector.load %arg5[%get3A_238, %get3A_239] : memref<4x16xf32, #tpu.memory_space<vmem>>, vector<1x1xf32>
    %get3A_241 = vector.extract %get3A_240[0, 0] : f32 from vector<1x1xf32>
    %mul3A_242 = vector.broadcast %get3A_241 : f32 to vector<16384xf32>
    %mul3A_243 = arith.mulf %max3A_43, %mul3A_242 : vector<16384xf32>
    %add3A_244 = arith.addf %mul3A_237, %mul3A_243 : vector<16384xf32>
    %get3A_245 = arith.constant 2 : index
    %get3A_246 = arith.constant 4 : index
    %get3A_247 = vector.load %arg5[%get3A_245, %get3A_246] : memref<4x16xf32, #tpu.memory_space<vmem>>, vector<1x1xf32>
    %get3A_248 = vector.extract %get3A_247[0, 0] : f32 from vector<1x1xf32>
    %mul3A_249 = vector.broadcast %get3A_248 : f32 to vector<16384xf32>
    %mul3A_250 = arith.mulf %max3A_65, %mul3A_249 : vector<16384xf32>
    %add3A_251 = arith.addf %add3A_244, %mul3A_250 : vector<16384xf32>
    %get3A_252 = arith.constant 3 : index
    %get3A_253 = arith.constant 4 : index
    %get3A_254 = vector.load %arg5[%get3A_252, %get3A_253] : memref<4x16xf32, #tpu.memory_space<vmem>>, vector<1x1xf32>
    %get3A_255 = vector.extract %get3A_254[0, 0] : f32 from vector<1x1xf32>
    %mul3A_256 = vector.broadcast %get3A_255 : f32 to vector<16384xf32>
    %mul3A_257 = arith.mulf %max3A_87, %mul3A_256 : vector<16384xf32>
    %add3A_258 = arith.addf %add3A_251, %mul3A_257 : vector<16384xf32>
    %get3A_259 = arith.constant 0 : index
    %get3A_260 = arith.constant 4 : index
    %get3A_261 = vector.load %arg6[%get3A_259, %get3A_260] : memref<1x16xf32, #tpu.memory_space<vmem>>, vector<1x1xf32>
    %get3A_262 = vector.extract %get3A_261[0, 0] : f32 from vector<1x1xf32>
    %add3A_263 = vector.broadcast %get3A_262 : f32 to vector<16384xf32>
    %add3A_264 = arith.addf %add3A_258, %add3A_263 : vector<16384xf32>
    %max3A_265 = arith.constant 0.000000e+00 : f32
    %max3A_266 = vector.broadcast %max3A_265 : f32 to vector<16384xf32>
    %max3A_267 = arith.maximumf %add3A_264, %max3A_266 : vector<16384xf32>
    %get3A_268 = arith.constant 0 : index
    %get3A_269 = arith.constant 5 : index
    %get3A_270 = vector.load %arg5[%get3A_268, %get3A_269] : memref<4x16xf32, #tpu.memory_space<vmem>>, vector<1x1xf32>
    %get3A_271 = vector.extract %get3A_270[0, 0] : f32 from vector<1x1xf32>
    %mul3A_272 = vector.broadcast %get3A_271 : f32 to vector<16384xf32>
    %mul3A_273 = arith.mulf %max3A_21, %mul3A_272 : vector<16384xf32>
    %get3A_274 = arith.constant 1 : index
    %get3A_275 = arith.constant 5 : index
    %get3A_276 = vector.load %arg5[%get3A_274, %get3A_275] : memref<4x16xf32, #tpu.memory_space<vmem>>, vector<1x1xf32>
    %get3A_277 = vector.extract %get3A_276[0, 0] : f32 from vector<1x1xf32>
    %mul3A_278 = vector.broadcast %get3A_277 : f32 to vector<16384xf32>
    %mul3A_279 = arith.mulf %max3A_43, %mul3A_278 : vector<16384xf32>
    %add3A_280 = arith.addf %mul3A_273, %mul3A_279 : vector<16384xf32>
    %get3A_281 = arith.constant 2 : index
    %get3A_282 = arith.constant 5 : index
    %get3A_283 = vector.load %arg5[%get3A_281, %get3A_282] : memref<4x16xf32, #tpu.memory_space<vmem>>, vector<1x1xf32>
    %get3A_284 = vector.extract %get3A_283[0, 0] : f32 from vector<1x1xf32>
    %mul3A_285 = vector.broadcast %get3A_284 : f32 to vector<16384xf32>
    %mul3A_286 = arith.mulf %max3A_65, %mul3A_285 : vector<16384xf32>
    %add3A_287 = arith.addf %add3A_280, %mul3A_286 : vector<16384xf32>
    %get3A_288 = arith.constant 3 : index
    %get3A_289 = arith.constant 5 : index
    %get3A_290 = vector.load %arg5[%get3A_288, %get3A_289] : memref<4x16xf32, #tpu.memory_space<vmem>>, vector<1x1xf32>
    %get3A_291 = vector.extract %get3A_290[0, 0] : f32 from vector<1x1xf32>
    %mul3A_292 = vector.broadcast %get3A_291 : f32 to vector<16384xf32>
    %mul3A_293 = arith.mulf %max3A_87, %mul3A_292 : vector<16384xf32>
    %add3A_294 = arith.addf %add3A_287, %mul3A_293 : vector<16384xf32>
    %get3A_295 = arith.constant 0 : index
    %get3A_296 = arith.constant 5 : index
    %get3A_297 = vector.load %arg6[%get3A_295, %get3A_296] : memref<1x16xf32, #tpu.memory_space<vmem>>, vector<1x1xf32>
    %get3A_298 = vector.extract %get3A_297[0, 0] : f32 from vector<1x1xf32>
    %add3A_299 = vector.broadcast %get3A_298 : f32 to vector<16384xf32>
    %add3A_300 = arith.addf %add3A_294, %add3A_299 : vector<16384xf32>
    %max3A_301 = arith.constant 0.000000e+00 : f32
    %max3A_302 = vector.broadcast %max3A_301 : f32 to vector<16384xf32>
    %max3A_303 = arith.maximumf %add3A_300, %max3A_302 : vector<16384xf32>
    %get3A_304 = arith.constant 0 : index
    %get3A_305 = arith.constant 6 : index
    %get3A_306 = vector.load %arg5[%get3A_304, %get3A_305] : memref<4x16xf32, #tpu.memory_space<vmem>>, vector<1x1xf32>
    %get3A_307 = vector.extract %get3A_306[0, 0] : f32 from vector<1x1xf32>
    %mul3A_308 = vector.broadcast %get3A_307 : f32 to vector<16384xf32>
    %mul3A_309 = arith.mulf %max3A_21, %mul3A_308 : vector<16384xf32>
    %get3A_310 = arith.constant 1 : index
    %get3A_311 = arith.constant 6 : index
    %get3A_312 = vector.load %arg5[%get3A_310, %get3A_311] : memref<4x16xf32, #tpu.memory_space<vmem>>, vector<1x1xf32>
    %get3A_313 = vector.extract %get3A_312[0, 0] : f32 from vector<1x1xf32>
    %mul3A_314 = vector.broadcast %get3A_313 : f32 to vector<16384xf32>
    %mul3A_315 = arith.mulf %max3A_43, %mul3A_314 : vector<16384xf32>
    %add3A_316 = arith.addf %mul3A_309, %mul3A_315 : vector<16384xf32>
    %get3A_317 = arith.constant 2 : index
    %get3A_318 = arith.constant 6 : index
    %get3A_319 = vector.load %arg5[%get3A_317, %get3A_318] : memref<4x16xf32, #tpu.memory_space<vmem>>, vector<1x1xf32>
    %get3A_320 = vector.extract %get3A_319[0, 0] : f32 from vector<1x1xf32>
    %mul3A_321 = vector.broadcast %get3A_320 : f32 to vector<16384xf32>
    %mul3A_322 = arith.mulf %max3A_65, %mul3A_321 : vector<16384xf32>
    %add3A_323 = arith.addf %add3A_316, %mul3A_322 : vector<16384xf32>
    %get3A_324 = arith.constant 3 : index
    %get3A_325 = arith.constant 6 : index
    %get3A_326 = vector.load %arg5[%get3A_324, %get3A_325] : memref<4x16xf32, #tpu.memory_space<vmem>>, vector<1x1xf32>
    %get3A_327 = vector.extract %get3A_326[0, 0] : f32 from vector<1x1xf32>
    %mul3A_328 = vector.broadcast %get3A_327 : f32 to vector<16384xf32>
    %mul3A_329 = arith.mulf %max3A_87, %mul3A_328 : vector<16384xf32>
    %add3A_330 = arith.addf %add3A_323, %mul3A_329 : vector<16384xf32>
    %get3A_331 = arith.constant 0 : index
    %get3A_332 = arith.constant 6 : index
    %get3A_333 = vector.load %arg6[%get3A_331, %get3A_332] : memref<1x16xf32, #tpu.memory_space<vmem>>, vector<1x1xf32>
    %get3A_334 = vector.extract %get3A_333[0, 0] : f32 from vector<1x1xf32>
    %add3A_335 = vector.broadcast %get3A_334 : f32 to vector<16384xf32>
    %add3A_336 = arith.addf %add3A_330, %add3A_335 : vector<16384xf32>
    %max3A_337 = arith.constant 0.000000e+00 : f32
    %max3A_338 = vector.broadcast %max3A_337 : f32 to vector<16384xf32>
    %max3A_339 = arith.maximumf %add3A_336, %max3A_338 : vector<16384xf32>
    %get3A_340 = arith.constant 0 : index
    %get3A_341 = arith.constant 7 : index
    %get3A_342 = vector.load %arg5[%get3A_340, %get3A_341] : memref<4x16xf32, #tpu.memory_space<vmem>>, vector<1x1xf32>
    %get3A_343 = vector.extract %get3A_342[0, 0] : f32 from vector<1x1xf32>
    %mul3A_344 = vector.broadcast %get3A_343 : f32 to vector<16384xf32>
    %mul3A_345 = arith.mulf %max3A_21, %mul3A_344 : vector<16384xf32>
    %get3A_346 = arith.constant 1 : index
    %get3A_347 = arith.constant 7 : index
    %get3A_348 = vector.load %arg5[%get3A_346, %get3A_347] : memref<4x16xf32, #tpu.memory_space<vmem>>, vector<1x1xf32>
    %get3A_349 = vector.extract %get3A_348[0, 0] : f32 from vector<1x1xf32>
    %mul3A_350 = vector.broadcast %get3A_349 : f32 to vector<16384xf32>
    %mul3A_351 = arith.mulf %max3A_43, %mul3A_350 : vector<16384xf32>
    %add3A_352 = arith.addf %mul3A_345, %mul3A_351 : vector<16384xf32>
    %get3A_353 = arith.constant 2 : index
    %get3A_354 = arith.constant 7 : index
    %get3A_355 = vector.load %arg5[%get3A_353, %get3A_354] : memref<4x16xf32, #tpu.memory_space<vmem>>, vector<1x1xf32>
    %get3A_356 = vector.extract %get3A_355[0, 0] : f32 from vector<1x1xf32>
    %mul3A_357 = vector.broadcast %get3A_356 : f32 to vector<16384xf32>
    %mul3A_358 = arith.mulf %max3A_65, %mul3A_357 : vector<16384xf32>
    %add3A_359 = arith.addf %add3A_352, %mul3A_358 : vector<16384xf32>
    %get3A_360 = arith.constant 3 : index
    %get3A_361 = arith.constant 7 : index
    %get3A_362 = vector.load %arg5[%get3A_360, %get3A_361] : memref<4x16xf32, #tpu.memory_space<vmem>>, vector<1x1xf32>
    %get3A_363 = vector.extract %get3A_362[0, 0] : f32 from vector<1x1xf32>
    %mul3A_364 = vector.broadcast %get3A_363 : f32 to vector<16384xf32>
    %mul3A_365 = arith.mulf %max3A_87, %mul3A_364 : vector<16384xf32>
    %add3A_366 = arith.addf %add3A_359, %mul3A_365 : vector<16384xf32>
    %get3A_367 = arith.constant 0 : index
    %get3A_368 = arith.constant 7 : index
    %get3A_369 = vector.load %arg6[%get3A_367, %get3A_368] : memref<1x16xf32, #tpu.memory_space<vmem>>, vector<1x1xf32>
    %get3A_370 = vector.extract %get3A_369[0, 0] : f32 from vector<1x1xf32>
    %add3A_371 = vector.broadcast %get3A_370 : f32 to vector<16384xf32>
    %add3A_372 = arith.addf %add3A_366, %add3A_371 : vector<16384xf32>
    %max3A_373 = arith.constant 0.000000e+00 : f32
    %max3A_374 = vector.broadcast %max3A_373 : f32 to vector<16384xf32>
    %max3A_375 = arith.maximumf %add3A_372, %max3A_374 : vector<16384xf32>
    %get3A_376 = arith.constant 0 : index
    %get3A_377 = arith.constant 8 : index
    %get3A_378 = vector.load %arg5[%get3A_376, %get3A_377] : memref<4x16xf32, #tpu.memory_space<vmem>>, vector<1x1xf32>
    %get3A_379 = vector.extract %get3A_378[0, 0] : f32 from vector<1x1xf32>
    %mul3A_380 = vector.broadcast %get3A_379 : f32 to vector<16384xf32>
    %mul3A_381 = arith.mulf %max3A_21, %mul3A_380 : vector<16384xf32>
    %get3A_382 = arith.constant 1 : index
    %get3A_383 = arith.constant 8 : index
    %get3A_384 = vector.load %arg5[%get3A_382, %get3A_383] : memref<4x16xf32, #tpu.memory_space<vmem>>, vector<1x1xf32>
    %get3A_385 = vector.extract %get3A_384[0, 0] : f32 from vector<1x1xf32>
    %mul3A_386 = vector.broadcast %get3A_385 : f32 to vector<16384xf32>
    %mul3A_387 = arith.mulf %max3A_43, %mul3A_386 : vector<16384xf32>
    %add3A_388 = arith.addf %mul3A_381, %mul3A_387 : vector<16384xf32>
    %get3A_389 = arith.constant 2 : index
    %get3A_390 = arith.constant 8 : index
    %get3A_391 = vector.load %arg5[%get3A_389, %get3A_390] : memref<4x16xf32, #tpu.memory_space<vmem>>, vector<1x1xf32>
    %get3A_392 = vector.extract %get3A_391[0, 0] : f32 from vector<1x1xf32>
    %mul3A_393 = vector.broadcast %get3A_392 : f32 to vector<16384xf32>
    %mul3A_394 = arith.mulf %max3A_65, %mul3A_393 : vector<16384xf32>
    %add3A_395 = arith.addf %add3A_388, %mul3A_394 : vector<16384xf32>
    %get3A_396 = arith.constant 3 : index
    %get3A_397 = arith.constant 8 : index
    %get3A_398 = vector.load %arg5[%get3A_396, %get3A_397] : memref<4x16xf32, #tpu.memory_space<vmem>>, vector<1x1xf32>
    %get3A_399 = vector.extract %get3A_398[0, 0] : f32 from vector<1x1xf32>
    %mul3A_400 = vector.broadcast %get3A_399 : f32 to vector<16384xf32>
    %mul3A_401 = arith.mulf %max3A_87, %mul3A_400 : vector<16384xf32>
    %add3A_402 = arith.addf %add3A_395, %mul3A_401 : vector<16384xf32>
    %get3A_403 = arith.constant 0 : index
    %get3A_404 = arith.constant 8 : index
    %get3A_405 = vector.load %arg6[%get3A_403, %get3A_404] : memref<1x16xf32, #tpu.memory_space<vmem>>, vector<1x1xf32>
    %get3A_406 = vector.extract %get3A_405[0, 0] : f32 from vector<1x1xf32>
    %add3A_407 = vector.broadcast %get3A_406 : f32 to vector<16384xf32>
    %add3A_408 = arith.addf %add3A_402, %add3A_407 : vector<16384xf32>
    %max3A_409 = arith.constant 0.000000e+00 : f32
    %max3A_410 = vector.broadcast %max3A_409 : f32 to vector<16384xf32>
    %max3A_411 = arith.maximumf %add3A_408, %max3A_410 : vector<16384xf32>
    %get3A_412 = arith.constant 0 : index
    %get3A_413 = arith.constant 9 : index
    %get3A_414 = vector.load %arg5[%get3A_412, %get3A_413] : memref<4x16xf32, #tpu.memory_space<vmem>>, vector<1x1xf32>
    %get3A_415 = vector.extract %get3A_414[0, 0] : f32 from vector<1x1xf32>
    %mul3A_416 = vector.broadcast %get3A_415 : f32 to vector<16384xf32>
    %mul3A_417 = arith.mulf %max3A_21, %mul3A_416 : vector<16384xf32>
    %get3A_418 = arith.constant 1 : index
    %get3A_419 = arith.constant 9 : index
    %get3A_420 = vector.load %arg5[%get3A_418, %get3A_419] : memref<4x16xf32, #tpu.memory_space<vmem>>, vector<1x1xf32>
    %get3A_421 = vector.extract %get3A_420[0, 0] : f32 from vector<1x1xf32>
    %mul3A_422 = vector.broadcast %get3A_421 : f32 to vector<16384xf32>
    %mul3A_423 = arith.mulf %max3A_43, %mul3A_422 : vector<16384xf32>
    %add3A_424 = arith.addf %mul3A_417, %mul3A_423 : vector<16384xf32>
    %get3A_425 = arith.constant 2 : index
    %get3A_426 = arith.constant 9 : index
    %get3A_427 = vector.load %arg5[%get3A_425, %get3A_426] : memref<4x16xf32, #tpu.memory_space<vmem>>, vector<1x1xf32>
    %get3A_428 = vector.extract %get3A_427[0, 0] : f32 from vector<1x1xf32>
    %mul3A_429 = vector.broadcast %get3A_428 : f32 to vector<16384xf32>
    %mul3A_430 = arith.mulf %max3A_65, %mul3A_429 : vector<16384xf32>
    %add3A_431 = arith.addf %add3A_424, %mul3A_430 : vector<16384xf32>
    %get3A_432 = arith.constant 3 : index
    %get3A_433 = arith.constant 9 : index
    %get3A_434 = vector.load %arg5[%get3A_432, %get3A_433] : memref<4x16xf32, #tpu.memory_space<vmem>>, vector<1x1xf32>
    %get3A_435 = vector.extract %get3A_434[0, 0] : f32 from vector<1x1xf32>
    %mul3A_436 = vector.broadcast %get3A_435 : f32 to vector<16384xf32>
    %mul3A_437 = arith.mulf %max3A_87, %mul3A_436 : vector<16384xf32>
    %add3A_438 = arith.addf %add3A_431, %mul3A_437 : vector<16384xf32>
    %get3A_439 = arith.constant 0 : index
    %get3A_440 = arith.constant 9 : index
    %get3A_441 = vector.load %arg6[%get3A_439, %get3A_440] : memref<1x16xf32, #tpu.memory_space<vmem>>, vector<1x1xf32>
    %get3A_442 = vector.extract %get3A_441[0, 0] : f32 from vector<1x1xf32>
    %add3A_443 = vector.broadcast %get3A_442 : f32 to vector<16384xf32>
    %add3A_444 = arith.addf %add3A_438, %add3A_443 : vector<16384xf32>
    %max3A_445 = arith.constant 0.000000e+00 : f32
    %max3A_446 = vector.broadcast %max3A_445 : f32 to vector<16384xf32>
    %max3A_447 = arith.maximumf %add3A_444, %max3A_446 : vector<16384xf32>
    %get3A_448 = arith.constant 0 : index
    %get3A_449 = arith.constant 10 : index
    %get3A_450 = vector.load %arg5[%get3A_448, %get3A_449] : memref<4x16xf32, #tpu.memory_space<vmem>>, vector<1x1xf32>
    %get3A_451 = vector.extract %get3A_450[0, 0] : f32 from vector<1x1xf32>
    %mul3A_452 = vector.broadcast %get3A_451 : f32 to vector<16384xf32>
    %mul3A_453 = arith.mulf %max3A_21, %mul3A_452 : vector<16384xf32>
    %get3A_454 = arith.constant 1 : index
    %get3A_455 = arith.constant 10 : index
    %get3A_456 = vector.load %arg5[%get3A_454, %get3A_455] : memref<4x16xf32, #tpu.memory_space<vmem>>, vector<1x1xf32>
    %get3A_457 = vector.extract %get3A_456[0, 0] : f32 from vector<1x1xf32>
    %mul3A_458 = vector.broadcast %get3A_457 : f32 to vector<16384xf32>
    %mul3A_459 = arith.mulf %max3A_43, %mul3A_458 : vector<16384xf32>
    %add3A_460 = arith.addf %mul3A_453, %mul3A_459 : vector<16384xf32>
    %get3A_461 = arith.constant 2 : index
    %get3A_462 = arith.constant 10 : index
    %get3A_463 = vector.load %arg5[%get3A_461, %get3A_462] : memref<4x16xf32, #tpu.memory_space<vmem>>, vector<1x1xf32>
    %get3A_464 = vector.extract %get3A_463[0, 0] : f32 from vector<1x1xf32>
    %mul3A_465 = vector.broadcast %get3A_464 : f32 to vector<16384xf32>
    %mul3A_466 = arith.mulf %max3A_65, %mul3A_465 : vector<16384xf32>
    %add3A_467 = arith.addf %add3A_460, %mul3A_466 : vector<16384xf32>
    %get3A_468 = arith.constant 3 : index
    %get3A_469 = arith.constant 10 : index
    %get3A_470 = vector.load %arg5[%get3A_468, %get3A_469] : memref<4x16xf32, #tpu.memory_space<vmem>>, vector<1x1xf32>
    %get3A_471 = vector.extract %get3A_470[0, 0] : f32 from vector<1x1xf32>
    %mul3A_472 = vector.broadcast %get3A_471 : f32 to vector<16384xf32>
    %mul3A_473 = arith.mulf %max3A_87, %mul3A_472 : vector<16384xf32>
    %add3A_474 = arith.addf %add3A_467, %mul3A_473 : vector<16384xf32>
    %get3A_475 = arith.constant 0 : index
    %get3A_476 = arith.constant 10 : index
    %get3A_477 = vector.load %arg6[%get3A_475, %get3A_476] : memref<1x16xf32, #tpu.memory_space<vmem>>, vector<1x1xf32>
    %get3A_478 = vector.extract %get3A_477[0, 0] : f32 from vector<1x1xf32>
    %add3A_479 = vector.broadcast %get3A_478 : f32 to vector<16384xf32>
    %add3A_480 = arith.addf %add3A_474, %add3A_479 : vector<16384xf32>
    %max3A_481 = arith.constant 0.000000e+00 : f32
    %max3A_482 = vector.broadcast %max3A_481 : f32 to vector<16384xf32>
    %max3A_483 = arith.maximumf %add3A_480, %max3A_482 : vector<16384xf32>
    %get3A_484 = arith.constant 0 : index
    %get3A_485 = arith.constant 11 : index
    %get3A_486 = vector.load %arg5[%get3A_484, %get3A_485] : memref<4x16xf32, #tpu.memory_space<vmem>>, vector<1x1xf32>
    %get3A_487 = vector.extract %get3A_486[0, 0] : f32 from vector<1x1xf32>
    %mul3A_488 = vector.broadcast %get3A_487 : f32 to vector<16384xf32>
    %mul3A_489 = arith.mulf %max3A_21, %mul3A_488 : vector<16384xf32>
    %get3A_490 = arith.constant 1 : index
    %get3A_491 = arith.constant 11 : index
    %get3A_492 = vector.load %arg5[%get3A_490, %get3A_491] : memref<4x16xf32, #tpu.memory_space<vmem>>, vector<1x1xf32>
    %get3A_493 = vector.extract %get3A_492[0, 0] : f32 from vector<1x1xf32>
    %mul3A_494 = vector.broadcast %get3A_493 : f32 to vector<16384xf32>
    %mul3A_495 = arith.mulf %max3A_43, %mul3A_494 : vector<16384xf32>
    %add3A_496 = arith.addf %mul3A_489, %mul3A_495 : vector<16384xf32>
    %get3A_497 = arith.constant 2 : index
    %get3A_498 = arith.constant 11 : index
    %get3A_499 = vector.load %arg5[%get3A_497, %get3A_498] : memref<4x16xf32, #tpu.memory_space<vmem>>, vector<1x1xf32>
    %get3A_500 = vector.extract %get3A_499[0, 0] : f32 from vector<1x1xf32>
    %mul3A_501 = vector.broadcast %get3A_500 : f32 to vector<16384xf32>
    %mul3A_502 = arith.mulf %max3A_65, %mul3A_501 : vector<16384xf32>
    %add3A_503 = arith.addf %add3A_496, %mul3A_502 : vector<16384xf32>
    %get3A_504 = arith.constant 3 : index
    %get3A_505 = arith.constant 11 : index
    %get3A_506 = vector.load %arg5[%get3A_504, %get3A_505] : memref<4x16xf32, #tpu.memory_space<vmem>>, vector<1x1xf32>
    %get3A_507 = vector.extract %get3A_506[0, 0] : f32 from vector<1x1xf32>
    %mul3A_508 = vector.broadcast %get3A_507 : f32 to vector<16384xf32>
    %mul3A_509 = arith.mulf %max3A_87, %mul3A_508 : vector<16384xf32>
    %add3A_510 = arith.addf %add3A_503, %mul3A_509 : vector<16384xf32>
    %get3A_511 = arith.constant 0 : index
    %get3A_512 = arith.constant 11 : index
    %get3A_513 = vector.load %arg6[%get3A_511, %get3A_512] : memref<1x16xf32, #tpu.memory_space<vmem>>, vector<1x1xf32>
    %get3A_514 = vector.extract %get3A_513[0, 0] : f32 from vector<1x1xf32>
    %add3A_515 = vector.broadcast %get3A_514 : f32 to vector<16384xf32>
    %add3A_516 = arith.addf %add3A_510, %add3A_515 : vector<16384xf32>
    %max3A_517 = arith.constant 0.000000e+00 : f32
    %max3A_518 = vector.broadcast %max3A_517 : f32 to vector<16384xf32>
    %max3A_519 = arith.maximumf %add3A_516, %max3A_518 : vector<16384xf32>
    %get3A_520 = arith.constant 0 : index
    %get3A_521 = arith.constant 12 : index
    %get3A_522 = vector.load %arg5[%get3A_520, %get3A_521] : memref<4x16xf32, #tpu.memory_space<vmem>>, vector<1x1xf32>
    %get3A_523 = vector.extract %get3A_522[0, 0] : f32 from vector<1x1xf32>
    %mul3A_524 = vector.broadcast %get3A_523 : f32 to vector<16384xf32>
    %mul3A_525 = arith.mulf %max3A_21, %mul3A_524 : vector<16384xf32>
    %get3A_526 = arith.constant 1 : index
    %get3A_527 = arith.constant 12 : index
    %get3A_528 = vector.load %arg5[%get3A_526, %get3A_527] : memref<4x16xf32, #tpu.memory_space<vmem>>, vector<1x1xf32>
    %get3A_529 = vector.extract %get3A_528[0, 0] : f32 from vector<1x1xf32>
    %mul3A_530 = vector.broadcast %get3A_529 : f32 to vector<16384xf32>
    %mul3A_531 = arith.mulf %max3A_43, %mul3A_530 : vector<16384xf32>
    %add3A_532 = arith.addf %mul3A_525, %mul3A_531 : vector<16384xf32>
    %get3A_533 = arith.constant 2 : index
    %get3A_534 = arith.constant 12 : index
    %get3A_535 = vector.load %arg5[%get3A_533, %get3A_534] : memref<4x16xf32, #tpu.memory_space<vmem>>, vector<1x1xf32>
    %get3A_536 = vector.extract %get3A_535[0, 0] : f32 from vector<1x1xf32>
    %mul3A_537 = vector.broadcast %get3A_536 : f32 to vector<16384xf32>
    %mul3A_538 = arith.mulf %max3A_65, %mul3A_537 : vector<16384xf32>
    %add3A_539 = arith.addf %add3A_532, %mul3A_538 : vector<16384xf32>
    %get3A_540 = arith.constant 3 : index
    %get3A_541 = arith.constant 12 : index
    %get3A_542 = vector.load %arg5[%get3A_540, %get3A_541] : memref<4x16xf32, #tpu.memory_space<vmem>>, vector<1x1xf32>
    %get3A_543 = vector.extract %get3A_542[0, 0] : f32 from vector<1x1xf32>
    %mul3A_544 = vector.broadcast %get3A_543 : f32 to vector<16384xf32>
    %mul3A_545 = arith.mulf %max3A_87, %mul3A_544 : vector<16384xf32>
    %add3A_546 = arith.addf %add3A_539, %mul3A_545 : vector<16384xf32>
    %get3A_547 = arith.constant 0 : index
    %get3A_548 = arith.constant 12 : index
    %get3A_549 = vector.load %arg6[%get3A_547, %get3A_548] : memref<1x16xf32, #tpu.memory_space<vmem>>, vector<1x1xf32>
    %get3A_550 = vector.extract %get3A_549[0, 0] : f32 from vector<1x1xf32>
    %add3A_551 = vector.broadcast %get3A_550 : f32 to vector<16384xf32>
    %add3A_552 = arith.addf %add3A_546, %add3A_551 : vector<16384xf32>
    %max3A_553 = arith.constant 0.000000e+00 : f32
    %max3A_554 = vector.broadcast %max3A_553 : f32 to vector<16384xf32>
    %max3A_555 = arith.maximumf %add3A_552, %max3A_554 : vector<16384xf32>
    %get3A_556 = arith.constant 0 : index
    %get3A_557 = arith.constant 13 : index
    %get3A_558 = vector.load %arg5[%get3A_556, %get3A_557] : memref<4x16xf32, #tpu.memory_space<vmem>>, vector<1x1xf32>
    %get3A_559 = vector.extract %get3A_558[0, 0] : f32 from vector<1x1xf32>
    %mul3A_560 = vector.broadcast %get3A_559 : f32 to vector<16384xf32>
    %mul3A_561 = arith.mulf %max3A_21, %mul3A_560 : vector<16384xf32>
    %get3A_562 = arith.constant 1 : index
    %get3A_563 = arith.constant 13 : index
    %get3A_564 = vector.load %arg5[%get3A_562, %get3A_563] : memref<4x16xf32, #tpu.memory_space<vmem>>, vector<1x1xf32>
    %get3A_565 = vector.extract %get3A_564[0, 0] : f32 from vector<1x1xf32>
    %mul3A_566 = vector.broadcast %get3A_565 : f32 to vector<16384xf32>
    %mul3A_567 = arith.mulf %max3A_43, %mul3A_566 : vector<16384xf32>
    %add3A_568 = arith.addf %mul3A_561, %mul3A_567 : vector<16384xf32>
    %get3A_569 = arith.constant 2 : index
    %get3A_570 = arith.constant 13 : index
    %get3A_571 = vector.load %arg5[%get3A_569, %get3A_570] : memref<4x16xf32, #tpu.memory_space<vmem>>, vector<1x1xf32>
    %get3A_572 = vector.extract %get3A_571[0, 0] : f32 from vector<1x1xf32>
    %mul3A_573 = vector.broadcast %get3A_572 : f32 to vector<16384xf32>
    %mul3A_574 = arith.mulf %max3A_65, %mul3A_573 : vector<16384xf32>
    %add3A_575 = arith.addf %add3A_568, %mul3A_574 : vector<16384xf32>
    %get3A_576 = arith.constant 3 : index
    %get3A_577 = arith.constant 13 : index
    %get3A_578 = vector.load %arg5[%get3A_576, %get3A_577] : memref<4x16xf32, #tpu.memory_space<vmem>>, vector<1x1xf32>
    %get3A_579 = vector.extract %get3A_578[0, 0] : f32 from vector<1x1xf32>
    %mul3A_580 = vector.broadcast %get3A_579 : f32 to vector<16384xf32>
    %mul3A_581 = arith.mulf %max3A_87, %mul3A_580 : vector<16384xf32>
    %add3A_582 = arith.addf %add3A_575, %mul3A_581 : vector<16384xf32>
    %get3A_583 = arith.constant 0 : index
    %get3A_584 = arith.constant 13 : index
    %get3A_585 = vector.load %arg6[%get3A_583, %get3A_584] : memref<1x16xf32, #tpu.memory_space<vmem>>, vector<1x1xf32>
    %get3A_586 = vector.extract %get3A_585[0, 0] : f32 from vector<1x1xf32>
    %add3A_587 = vector.broadcast %get3A_586 : f32 to vector<16384xf32>
    %add3A_588 = arith.addf %add3A_582, %add3A_587 : vector<16384xf32>
    %max3A_589 = arith.constant 0.000000e+00 : f32
    %max3A_590 = vector.broadcast %max3A_589 : f32 to vector<16384xf32>
    %max3A_591 = arith.maximumf %add3A_588, %max3A_590 : vector<16384xf32>
    %get3A_592 = arith.constant 0 : index
    %get3A_593 = arith.constant 14 : index
    %get3A_594 = vector.load %arg5[%get3A_592, %get3A_593] : memref<4x16xf32, #tpu.memory_space<vmem>>, vector<1x1xf32>
    %get3A_595 = vector.extract %get3A_594[0, 0] : f32 from vector<1x1xf32>
    %mul3A_596 = vector.broadcast %get3A_595 : f32 to vector<16384xf32>
    %mul3A_597 = arith.mulf %max3A_21, %mul3A_596 : vector<16384xf32>
    %get3A_598 = arith.constant 1 : index
    %get3A_599 = arith.constant 14 : index
    %get3A_600 = vector.load %arg5[%get3A_598, %get3A_599] : memref<4x16xf32, #tpu.memory_space<vmem>>, vector<1x1xf32>
    %get3A_601 = vector.extract %get3A_600[0, 0] : f32 from vector<1x1xf32>
    %mul3A_602 = vector.broadcast %get3A_601 : f32 to vector<16384xf32>
    %mul3A_603 = arith.mulf %max3A_43, %mul3A_602 : vector<16384xf32>
    %add3A_604 = arith.addf %mul3A_597, %mul3A_603 : vector<16384xf32>
    %get3A_605 = arith.constant 2 : index
    %get3A_606 = arith.constant 14 : index
    %get3A_607 = vector.load %arg5[%get3A_605, %get3A_606] : memref<4x16xf32, #tpu.memory_space<vmem>>, vector<1x1xf32>
    %get3A_608 = vector.extract %get3A_607[0, 0] : f32 from vector<1x1xf32>
    %mul3A_609 = vector.broadcast %get3A_608 : f32 to vector<16384xf32>
    %mul3A_610 = arith.mulf %max3A_65, %mul3A_609 : vector<16384xf32>
    %add3A_611 = arith.addf %add3A_604, %mul3A_610 : vector<16384xf32>
    %get3A_612 = arith.constant 3 : index
    %get3A_613 = arith.constant 14 : index
    %get3A_614 = vector.load %arg5[%get3A_612, %get3A_613] : memref<4x16xf32, #tpu.memory_space<vmem>>, vector<1x1xf32>
    %get3A_615 = vector.extract %get3A_614[0, 0] : f32 from vector<1x1xf32>
    %mul3A_616 = vector.broadcast %get3A_615 : f32 to vector<16384xf32>
    %mul3A_617 = arith.mulf %max3A_87, %mul3A_616 : vector<16384xf32>
    %add3A_618 = arith.addf %add3A_611, %mul3A_617 : vector<16384xf32>
    %get3A_619 = arith.constant 0 : index
    %get3A_620 = arith.constant 14 : index
    %get3A_621 = vector.load %arg6[%get3A_619, %get3A_620] : memref<1x16xf32, #tpu.memory_space<vmem>>, vector<1x1xf32>
    %get3A_622 = vector.extract %get3A_621[0, 0] : f32 from vector<1x1xf32>
    %add3A_623 = vector.broadcast %get3A_622 : f32 to vector<16384xf32>
    %add3A_624 = arith.addf %add3A_618, %add3A_623 : vector<16384xf32>
    %max3A_625 = arith.constant 0.000000e+00 : f32
    %max3A_626 = vector.broadcast %max3A_625 : f32 to vector<16384xf32>
    %max3A_627 = arith.maximumf %add3A_624, %max3A_626 : vector<16384xf32>
    %get3A_628 = arith.constant 0 : index
    %get3A_629 = arith.constant 15 : index
    %get3A_630 = vector.load %arg5[%get3A_628, %get3A_629] : memref<4x16xf32, #tpu.memory_space<vmem>>, vector<1x1xf32>
    %get3A_631 = vector.extract %get3A_630[0, 0] : f32 from vector<1x1xf32>
    %mul3A_632 = vector.broadcast %get3A_631 : f32 to vector<16384xf32>
    %mul3A_633 = arith.mulf %max3A_21, %mul3A_632 : vector<16384xf32>
    %get3A_634 = arith.constant 1 : index
    %get3A_635 = arith.constant 15 : index
    %get3A_636 = vector.load %arg5[%get3A_634, %get3A_635] : memref<4x16xf32, #tpu.memory_space<vmem>>, vector<1x1xf32>
    %get3A_637 = vector.extract %get3A_636[0, 0] : f32 from vector<1x1xf32>
    %mul3A_638 = vector.broadcast %get3A_637 : f32 to vector<16384xf32>
    %mul3A_639 = arith.mulf %max3A_43, %mul3A_638 : vector<16384xf32>
    %add3A_640 = arith.addf %mul3A_633, %mul3A_639 : vector<16384xf32>
    %get3A_641 = arith.constant 2 : index
    %get3A_642 = arith.constant 15 : index
    %get3A_643 = vector.load %arg5[%get3A_641, %get3A_642] : memref<4x16xf32, #tpu.memory_space<vmem>>, vector<1x1xf32>
    %get3A_644 = vector.extract %get3A_643[0, 0] : f32 from vector<1x1xf32>
    %mul3A_645 = vector.broadcast %get3A_644 : f32 to vector<16384xf32>
    %mul3A_646 = arith.mulf %max3A_65, %mul3A_645 : vector<16384xf32>
    %add3A_647 = arith.addf %add3A_640, %mul3A_646 : vector<16384xf32>
    %get3A_648 = arith.constant 3 : index
    %get3A_649 = arith.constant 15 : index
    %get3A_650 = vector.load %arg5[%get3A_648, %get3A_649] : memref<4x16xf32, #tpu.memory_space<vmem>>, vector<1x1xf32>
    %get3A_651 = vector.extract %get3A_650[0, 0] : f32 from vector<1x1xf32>
    %mul3A_652 = vector.broadcast %get3A_651 : f32 to vector<16384xf32>
    %mul3A_653 = arith.mulf %max3A_87, %mul3A_652 : vector<16384xf32>
    %add3A_654 = arith.addf %add3A_647, %mul3A_653 : vector<16384xf32>
    %get3A_655 = arith.constant 0 : index
    %get3A_656 = arith.constant 15 : index
    %get3A_657 = vector.load %arg6[%get3A_655, %get3A_656] : memref<1x16xf32, #tpu.memory_space<vmem>>, vector<1x1xf32>
    %get3A_658 = vector.extract %get3A_657[0, 0] : f32 from vector<1x1xf32>
    %add3A_659 = vector.broadcast %get3A_658 : f32 to vector<16384xf32>
    %add3A_660 = arith.addf %add3A_654, %add3A_659 : vector<16384xf32>
    %max3A_661 = arith.constant 0.000000e+00 : f32
    %max3A_662 = vector.broadcast %max3A_661 : f32 to vector<16384xf32>
    %max3A_663 = arith.maximumf %add3A_660, %max3A_662 : vector<16384xf32>
    %get3A_664 = arith.constant 0 : index
    %get3A_665 = arith.constant 0 : index
    %get3A_666 = vector.load %arg7[%get3A_664, %get3A_665] : memref<16x2xf32, #tpu.memory_space<vmem>>, vector<1x1xf32>
    %get3A_667 = vector.extract %get3A_666[0, 0] : f32 from vector<1x1xf32>
    %mul3A_668 = vector.broadcast %get3A_667 : f32 to vector<16384xf32>
    %mul3A_669 = arith.mulf %max3A_123, %mul3A_668 : vector<16384xf32>
    %get3A_670 = arith.constant 1 : index
    %get3A_671 = arith.constant 0 : index
    %get3A_672 = vector.load %arg7[%get3A_670, %get3A_671] : memref<16x2xf32, #tpu.memory_space<vmem>>, vector<1x1xf32>
    %get3A_673 = vector.extract %get3A_672[0, 0] : f32 from vector<1x1xf32>
    %mul3A_674 = vector.broadcast %get3A_673 : f32 to vector<16384xf32>
    %mul3A_675 = arith.mulf %max3A_159, %mul3A_674 : vector<16384xf32>
    %add3A_676 = arith.addf %mul3A_669, %mul3A_675 : vector<16384xf32>
    %get3A_677 = arith.constant 2 : index
    %get3A_678 = arith.constant 0 : index
    %get3A_679 = vector.load %arg7[%get3A_677, %get3A_678] : memref<16x2xf32, #tpu.memory_space<vmem>>, vector<1x1xf32>
    %get3A_680 = vector.extract %get3A_679[0, 0] : f32 from vector<1x1xf32>
    %mul3A_681 = vector.broadcast %get3A_680 : f32 to vector<16384xf32>
    %mul3A_682 = arith.mulf %max3A_195, %mul3A_681 : vector<16384xf32>
    %add3A_683 = arith.addf %add3A_676, %mul3A_682 : vector<16384xf32>
    %get3A_684 = arith.constant 3 : index
    %get3A_685 = arith.constant 0 : index
    %get3A_686 = vector.load %arg7[%get3A_684, %get3A_685] : memref<16x2xf32, #tpu.memory_space<vmem>>, vector<1x1xf32>
    %get3A_687 = vector.extract %get3A_686[0, 0] : f32 from vector<1x1xf32>
    %mul3A_688 = vector.broadcast %get3A_687 : f32 to vector<16384xf32>
    %mul3A_689 = arith.mulf %max3A_231, %mul3A_688 : vector<16384xf32>
    %add3A_690 = arith.addf %add3A_683, %mul3A_689 : vector<16384xf32>
    %get3A_691 = arith.constant 4 : index
    %get3A_692 = arith.constant 0 : index
    %get3A_693 = vector.load %arg7[%get3A_691, %get3A_692] : memref<16x2xf32, #tpu.memory_space<vmem>>, vector<1x1xf32>
    %get3A_694 = vector.extract %get3A_693[0, 0] : f32 from vector<1x1xf32>
    %mul3A_695 = vector.broadcast %get3A_694 : f32 to vector<16384xf32>
    %mul3A_696 = arith.mulf %max3A_267, %mul3A_695 : vector<16384xf32>
    %add3A_697 = arith.addf %add3A_690, %mul3A_696 : vector<16384xf32>
    %get3A_698 = arith.constant 5 : index
    %get3A_699 = arith.constant 0 : index
    %get3A_700 = vector.load %arg7[%get3A_698, %get3A_699] : memref<16x2xf32, #tpu.memory_space<vmem>>, vector<1x1xf32>
    %get3A_701 = vector.extract %get3A_700[0, 0] : f32 from vector<1x1xf32>
    %mul3A_702 = vector.broadcast %get3A_701 : f32 to vector<16384xf32>
    %mul3A_703 = arith.mulf %max3A_303, %mul3A_702 : vector<16384xf32>
    %add3A_704 = arith.addf %add3A_697, %mul3A_703 : vector<16384xf32>
    %get3A_705 = arith.constant 6 : index
    %get3A_706 = arith.constant 0 : index
    %get3A_707 = vector.load %arg7[%get3A_705, %get3A_706] : memref<16x2xf32, #tpu.memory_space<vmem>>, vector<1x1xf32>
    %get3A_708 = vector.extract %get3A_707[0, 0] : f32 from vector<1x1xf32>
    %mul3A_709 = vector.broadcast %get3A_708 : f32 to vector<16384xf32>
    %mul3A_710 = arith.mulf %max3A_339, %mul3A_709 : vector<16384xf32>
    %add3A_711 = arith.addf %add3A_704, %mul3A_710 : vector<16384xf32>
    %get3A_712 = arith.constant 7 : index
    %get3A_713 = arith.constant 0 : index
    %get3A_714 = vector.load %arg7[%get3A_712, %get3A_713] : memref<16x2xf32, #tpu.memory_space<vmem>>, vector<1x1xf32>
    %get3A_715 = vector.extract %get3A_714[0, 0] : f32 from vector<1x1xf32>
    %mul3A_716 = vector.broadcast %get3A_715 : f32 to vector<16384xf32>
    %mul3A_717 = arith.mulf %max3A_375, %mul3A_716 : vector<16384xf32>
    %add3A_718 = arith.addf %add3A_711, %mul3A_717 : vector<16384xf32>
    %get3A_719 = arith.constant 8 : index
    %get3A_720 = arith.constant 0 : index
    %get3A_721 = vector.load %arg7[%get3A_719, %get3A_720] : memref<16x2xf32, #tpu.memory_space<vmem>>, vector<1x1xf32>
    %get3A_722 = vector.extract %get3A_721[0, 0] : f32 from vector<1x1xf32>
    %mul3A_723 = vector.broadcast %get3A_722 : f32 to vector<16384xf32>
    %mul3A_724 = arith.mulf %max3A_411, %mul3A_723 : vector<16384xf32>
    %add3A_725 = arith.addf %add3A_718, %mul3A_724 : vector<16384xf32>
    %get3A_726 = arith.constant 9 : index
    %get3A_727 = arith.constant 0 : index
    %get3A_728 = vector.load %arg7[%get3A_726, %get3A_727] : memref<16x2xf32, #tpu.memory_space<vmem>>, vector<1x1xf32>
    %get3A_729 = vector.extract %get3A_728[0, 0] : f32 from vector<1x1xf32>
    %mul3A_730 = vector.broadcast %get3A_729 : f32 to vector<16384xf32>
    %mul3A_731 = arith.mulf %max3A_447, %mul3A_730 : vector<16384xf32>
    %add3A_732 = arith.addf %add3A_725, %mul3A_731 : vector<16384xf32>
    %get3A_733 = arith.constant 10 : index
    %get3A_734 = arith.constant 0 : index
    %get3A_735 = vector.load %arg7[%get3A_733, %get3A_734] : memref<16x2xf32, #tpu.memory_space<vmem>>, vector<1x1xf32>
    %get3A_736 = vector.extract %get3A_735[0, 0] : f32 from vector<1x1xf32>
    %mul3A_737 = vector.broadcast %get3A_736 : f32 to vector<16384xf32>
    %mul3A_738 = arith.mulf %max3A_483, %mul3A_737 : vector<16384xf32>
    %add3A_739 = arith.addf %add3A_732, %mul3A_738 : vector<16384xf32>
    %get3A_740 = arith.constant 11 : index
    %get3A_741 = arith.constant 0 : index
    %get3A_742 = vector.load %arg7[%get3A_740, %get3A_741] : memref<16x2xf32, #tpu.memory_space<vmem>>, vector<1x1xf32>
    %get3A_743 = vector.extract %get3A_742[0, 0] : f32 from vector<1x1xf32>
    %mul3A_744 = vector.broadcast %get3A_743 : f32 to vector<16384xf32>
    %mul3A_745 = arith.mulf %max3A_519, %mul3A_744 : vector<16384xf32>
    %add3A_746 = arith.addf %add3A_739, %mul3A_745 : vector<16384xf32>
    %get3A_747 = arith.constant 12 : index
    %get3A_748 = arith.constant 0 : index
    %get3A_749 = vector.load %arg7[%get3A_747, %get3A_748] : memref<16x2xf32, #tpu.memory_space<vmem>>, vector<1x1xf32>
    %get3A_750 = vector.extract %get3A_749[0, 0] : f32 from vector<1x1xf32>
    %mul3A_751 = vector.broadcast %get3A_750 : f32 to vector<16384xf32>
    %mul3A_752 = arith.mulf %max3A_555, %mul3A_751 : vector<16384xf32>
    %add3A_753 = arith.addf %add3A_746, %mul3A_752 : vector<16384xf32>
    %get3A_754 = arith.constant 13 : index
    %get3A_755 = arith.constant 0 : index
    %get3A_756 = vector.load %arg7[%get3A_754, %get3A_755] : memref<16x2xf32, #tpu.memory_space<vmem>>, vector<1x1xf32>
    %get3A_757 = vector.extract %get3A_756[0, 0] : f32 from vector<1x1xf32>
    %mul3A_758 = vector.broadcast %get3A_757 : f32 to vector<16384xf32>
    %mul3A_759 = arith.mulf %max3A_591, %mul3A_758 : vector<16384xf32>
    %add3A_760 = arith.addf %add3A_753, %mul3A_759 : vector<16384xf32>
    %get3A_761 = arith.constant 14 : index
    %get3A_762 = arith.constant 0 : index
    %get3A_763 = vector.load %arg7[%get3A_761, %get3A_762] : memref<16x2xf32, #tpu.memory_space<vmem>>, vector<1x1xf32>
    %get3A_764 = vector.extract %get3A_763[0, 0] : f32 from vector<1x1xf32>
    %mul3A_765 = vector.broadcast %get3A_764 : f32 to vector<16384xf32>
    %mul3A_766 = arith.mulf %max3A_627, %mul3A_765 : vector<16384xf32>
    %add3A_767 = arith.addf %add3A_760, %mul3A_766 : vector<16384xf32>
    %get3A_768 = arith.constant 15 : index
    %get3A_769 = arith.constant 0 : index
    %get3A_770 = vector.load %arg7[%get3A_768, %get3A_769] : memref<16x2xf32, #tpu.memory_space<vmem>>, vector<1x1xf32>
    %get3A_771 = vector.extract %get3A_770[0, 0] : f32 from vector<1x1xf32>
    %mul3A_772 = vector.broadcast %get3A_771 : f32 to vector<16384xf32>
    %mul3A_773 = arith.mulf %max3A_663, %mul3A_772 : vector<16384xf32>
    %add3A_774 = arith.addf %add3A_767, %mul3A_773 : vector<16384xf32>
    %get3A_775 = arith.constant 0 : index
    %get3A_776 = arith.constant 0 : index
    %get3A_777 = vector.load %arg8[%get3A_775, %get3A_776] : memref<1x2xf32, #tpu.memory_space<vmem>>, vector<1x1xf32>
    %get3A_778 = vector.extract %get3A_777[0, 0] : f32 from vector<1x1xf32>
    %add3A_779 = vector.broadcast %get3A_778 : f32 to vector<16384xf32>
    %add3A_780 = arith.addf %add3A_774, %add3A_779 : vector<16384xf32>
    %swap3A = arith.constant 0 : index
    %swap3A_781 = vector.load %arg9[%swap3A] : memref<16384xf32, #tpu.memory_space<vmem>>, vector<16384xf32>
    tpu.vector_store %arg9[%swap3A], %add3A_780 {strides = array<i32>} : memref<16384xf32, #tpu.memory_space<vmem>>, vector<16384xf32>,
    %get3A_782 = arith.constant 0 : index
    %get3A_783 = arith.constant 1 : index
    %get3A_784 = vector.load %arg7[%get3A_782, %get3A_783] : memref<16x2xf32, #tpu.memory_space<vmem>>, vector<1x1xf32>
    %get3A_785 = vector.extract %get3A_784[0, 0] : f32 from vector<1x1xf32>
    %mul3A_786 = vector.broadcast %get3A_785 : f32 to vector<16384xf32>
    %mul3A_787 = arith.mulf %max3A_123, %mul3A_786 : vector<16384xf32>
    %get3A_788 = arith.constant 1 : index
    %get3A_789 = arith.constant 1 : index
    %get3A_790 = vector.load %arg7[%get3A_788, %get3A_789] : memref<16x2xf32, #tpu.memory_space<vmem>>, vector<1x1xf32>
    %get3A_791 = vector.extract %get3A_790[0, 0] : f32 from vector<1x1xf32>
    %mul3A_792 = vector.broadcast %get3A_791 : f32 to vector<16384xf32>
    %mul3A_793 = arith.mulf %max3A_159, %mul3A_792 : vector<16384xf32>
    %add3A_794 = arith.addf %mul3A_787, %mul3A_793 : vector<16384xf32>
    %get3A_795 = arith.constant 2 : index
    %get3A_796 = arith.constant 1 : index
    %get3A_797 = vector.load %arg7[%get3A_795, %get3A_796] : memref<16x2xf32, #tpu.memory_space<vmem>>, vector<1x1xf32>
    %get3A_798 = vector.extract %get3A_797[0, 0] : f32 from vector<1x1xf32>
    %mul3A_799 = vector.broadcast %get3A_798 : f32 to vector<16384xf32>
    %mul3A_800 = arith.mulf %max3A_195, %mul3A_799 : vector<16384xf32>
    %add3A_801 = arith.addf %add3A_794, %mul3A_800 : vector<16384xf32>
    %get3A_802 = arith.constant 3 : index
    %get3A_803 = arith.constant 1 : index
    %get3A_804 = vector.load %arg7[%get3A_802, %get3A_803] : memref<16x2xf32, #tpu.memory_space<vmem>>, vector<1x1xf32>
    %get3A_805 = vector.extract %get3A_804[0, 0] : f32 from vector<1x1xf32>
    %mul3A_806 = vector.broadcast %get3A_805 : f32 to vector<16384xf32>
    %mul3A_807 = arith.mulf %max3A_231, %mul3A_806 : vector<16384xf32>
    %add3A_808 = arith.addf %add3A_801, %mul3A_807 : vector<16384xf32>
    %get3A_809 = arith.constant 4 : index
    %get3A_810 = arith.constant 1 : index
    %get3A_811 = vector.load %arg7[%get3A_809, %get3A_810] : memref<16x2xf32, #tpu.memory_space<vmem>>, vector<1x1xf32>
    %get3A_812 = vector.extract %get3A_811[0, 0] : f32 from vector<1x1xf32>
    %mul3A_813 = vector.broadcast %get3A_812 : f32 to vector<16384xf32>
    %mul3A_814 = arith.mulf %max3A_267, %mul3A_813 : vector<16384xf32>
    %add3A_815 = arith.addf %add3A_808, %mul3A_814 : vector<16384xf32>
    %get3A_816 = arith.constant 5 : index
    %get3A_817 = arith.constant 1 : index
    %get3A_818 = vector.load %arg7[%get3A_816, %get3A_817] : memref<16x2xf32, #tpu.memory_space<vmem>>, vector<1x1xf32>
    %get3A_819 = vector.extract %get3A_818[0, 0] : f32 from vector<1x1xf32>
    %mul3A_820 = vector.broadcast %get3A_819 : f32 to vector<16384xf32>
    %mul3A_821 = arith.mulf %max3A_303, %mul3A_820 : vector<16384xf32>
    %add3A_822 = arith.addf %add3A_815, %mul3A_821 : vector<16384xf32>
    %get3A_823 = arith.constant 6 : index
    %get3A_824 = arith.constant 1 : index
    %get3A_825 = vector.load %arg7[%get3A_823, %get3A_824] : memref<16x2xf32, #tpu.memory_space<vmem>>, vector<1x1xf32>
    %get3A_826 = vector.extract %get3A_825[0, 0] : f32 from vector<1x1xf32>
    %mul3A_827 = vector.broadcast %get3A_826 : f32 to vector<16384xf32>
    %mul3A_828 = arith.mulf %max3A_339, %mul3A_827 : vector<16384xf32>
    %add3A_829 = arith.addf %add3A_822, %mul3A_828 : vector<16384xf32>
    %get3A_830 = arith.constant 7 : index
    %get3A_831 = arith.constant 1 : index
    %get3A_832 = vector.load %arg7[%get3A_830, %get3A_831] : memref<16x2xf32, #tpu.memory_space<vmem>>, vector<1x1xf32>
    %get3A_833 = vector.extract %get3A_832[0, 0] : f32 from vector<1x1xf32>
    %mul3A_834 = vector.broadcast %get3A_833 : f32 to vector<16384xf32>
    %mul3A_835 = arith.mulf %max3A_375, %mul3A_834 : vector<16384xf32>
    %add3A_836 = arith.addf %add3A_829, %mul3A_835 : vector<16384xf32>
    %get3A_837 = arith.constant 8 : index
    %get3A_838 = arith.constant 1 : index
    %get3A_839 = vector.load %arg7[%get3A_837, %get3A_838] : memref<16x2xf32, #tpu.memory_space<vmem>>, vector<1x1xf32>
    %get3A_840 = vector.extract %get3A_839[0, 0] : f32 from vector<1x1xf32>
    %mul3A_841 = vector.broadcast %get3A_840 : f32 to vector<16384xf32>
    %mul3A_842 = arith.mulf %max3A_411, %mul3A_841 : vector<16384xf32>
    %add3A_843 = arith.addf %add3A_836, %mul3A_842 : vector<16384xf32>
    %get3A_844 = arith.constant 9 : index
    %get3A_845 = arith.constant 1 : index
    %get3A_846 = vector.load %arg7[%get3A_844, %get3A_845] : memref<16x2xf32, #tpu.memory_space<vmem>>, vector<1x1xf32>
    %get3A_847 = vector.extract %get3A_846[0, 0] : f32 from vector<1x1xf32>
    %mul3A_848 = vector.broadcast %get3A_847 : f32 to vector<16384xf32>
    %mul3A_849 = arith.mulf %max3A_447, %mul3A_848 : vector<16384xf32>
    %add3A_850 = arith.addf %add3A_843, %mul3A_849 : vector<16384xf32>
    %get3A_851 = arith.constant 10 : index
    %get3A_852 = arith.constant 1 : index
    %get3A_853 = vector.load %arg7[%get3A_851, %get3A_852] : memref<16x2xf32, #tpu.memory_space<vmem>>, vector<1x1xf32>
    %get3A_854 = vector.extract %get3A_853[0, 0] : f32 from vector<1x1xf32>
    %mul3A_855 = vector.broadcast %get3A_854 : f32 to vector<16384xf32>
    %mul3A_856 = arith.mulf %max3A_483, %mul3A_855 : vector<16384xf32>
    %add3A_857 = arith.addf %add3A_850, %mul3A_856 : vector<16384xf32>
    %get3A_858 = arith.constant 11 : index
    %get3A_859 = arith.constant 1 : index
    %get3A_860 = vector.load %arg7[%get3A_858, %get3A_859] : memref<16x2xf32, #tpu.memory_space<vmem>>, vector<1x1xf32>
    %get3A_861 = vector.extract %get3A_860[0, 0] : f32 from vector<1x1xf32>
    %mul3A_862 = vector.broadcast %get3A_861 : f32 to vector<16384xf32>
    %mul3A_863 = arith.mulf %max3A_519, %mul3A_862 : vector<16384xf32>
    %add3A_864 = arith.addf %add3A_857, %mul3A_863 : vector<16384xf32>
    %get3A_865 = arith.constant 12 : index
    %get3A_866 = arith.constant 1 : index
    %get3A_867 = vector.load %arg7[%get3A_865, %get3A_866] : memref<16x2xf32, #tpu.memory_space<vmem>>, vector<1x1xf32>
    %get3A_868 = vector.extract %get3A_867[0, 0] : f32 from vector<1x1xf32>
    %mul3A_869 = vector.broadcast %get3A_868 : f32 to vector<16384xf32>
    %mul3A_870 = arith.mulf %max3A_555, %mul3A_869 : vector<16384xf32>
    %add3A_871 = arith.addf %add3A_864, %mul3A_870 : vector<16384xf32>
    %get3A_872 = arith.constant 13 : index
    %get3A_873 = arith.constant 1 : index
    %get3A_874 = vector.load %arg7[%get3A_872, %get3A_873] : memref<16x2xf32, #tpu.memory_space<vmem>>, vector<1x1xf32>
    %get3A_875 = vector.extract %get3A_874[0, 0] : f32 from vector<1x1xf32>
    %mul3A_876 = vector.broadcast %get3A_875 : f32 to vector<16384xf32>
    %mul3A_877 = arith.mulf %max3A_591, %mul3A_876 : vector<16384xf32>
    %add3A_878 = arith.addf %add3A_871, %mul3A_877 : vector<16384xf32>
    %get3A_879 = arith.constant 14 : index
    %get3A_880 = arith.constant 1 : index
    %get3A_881 = vector.load %arg7[%get3A_879, %get3A_880] : memref<16x2xf32, #tpu.memory_space<vmem>>, vector<1x1xf32>
    %get3A_882 = vector.extract %get3A_881[0, 0] : f32 from vector<1x1xf32>
    %mul3A_883 = vector.broadcast %get3A_882 : f32 to vector<16384xf32>
    %mul3A_884 = arith.mulf %max3A_627, %mul3A_883 : vector<16384xf32>
    %add3A_885 = arith.addf %add3A_878, %mul3A_884 : vector<16384xf32>
    %get3A_886 = arith.constant 15 : index
    %get3A_887 = arith.constant 1 : index
    %get3A_888 = vector.load %arg7[%get3A_886, %get3A_887] : memref<16x2xf32, #tpu.memory_space<vmem>>, vector<1x1xf32>
    %get3A_889 = vector.extract %get3A_888[0, 0] : f32 from vector<1x1xf32>
    %mul3A_890 = vector.broadcast %get3A_889 : f32 to vector<16384xf32>
    %mul3A_891 = arith.mulf %max3A_663, %mul3A_890 : vector<16384xf32>
    %add3A_892 = arith.addf %add3A_885, %mul3A_891 : vector<16384xf32>
    %get3A_893 = arith.constant 0 : index
    %get3A_894 = arith.constant 1 : index
    %get3A_895 = vector.load %arg8[%get3A_893, %get3A_894] : memref<1x2xf32, #tpu.memory_space<vmem>>, vector<1x1xf32>
    %get3A_896 = vector.extract %get3A_895[0, 0] : f32 from vector<1x1xf32>
    %add3A_897 = vector.broadcast %get3A_896 : f32 to vector<16384xf32>
    %add3A_898 = arith.addf %add3A_892, %add3A_897 : vector<16384xf32>
    %swap3A_899 = arith.constant 0 : index
    %swap3A_900 = vector.load %arg10[%swap3A_899] : memref<16384xf32, #tpu.memory_space<vmem>>, vector<16384xf32>
    tpu.vector_store %arg10[%swap3A_899], %add3A_898 {strides = array<i32>} : memref<16384xf32, #tpu.memory_space<vmem>>, vector<16384xf32>,
    return
  }
  func.func @transform_0(%arg0: i32) -> i32 {
    %c0_i32 = arith.constant 0 : i32
    return %arg0 : i32
  }
  func.func @transform_1(%arg0: i32) -> i32 {
    %c0_i32 = arith.constant 0 : i32
    return %arg0 : i32
  }
  func.func @transform_2(%arg0: i32) -> (i32, i32) {
    %c0_i32 = arith.constant 0 : i32
    %c0_i32_0 = arith.constant 0 : i32
    %c0_i32_1 = arith.constant 0 : i32
    return %c0_i32, %c0_i32_0 : i32, i32
  }
  func.func @transform_3(%arg0: i32) -> (i32, i32) {
    %c0_i32 = arith.constant 0 : i32
    %c0_i32_0 = arith.constant 0 : i32
    %c0_i32_1 = arith.constant 0 : i32
    return %c0_i32, %c0_i32_0 : i32, i32
  }
  func.func @transform_4(%arg0: i32) -> (i32, i32) {
    %c0_i32 = arith.constant 0 : i32
    %c0_i32_0 = arith.constant 0 : i32
    %c0_i32_1 = arith.constant 0 : i32
    return %c0_i32, %c0_i32_0 : i32, i32
  }
  func.func @transform_5(%arg0: i32) -> (i32, i32) {
    %c0_i32 = arith.constant 0 : i32
    %c0_i32_0 = arith.constant 0 : i32
    %c0_i32_1 = arith.constant 0 : i32
    return %c0_i32, %c0_i32_0 : i32, i32
  }
  func.func @transform_6(%arg0: i32) -> (i32, i32) {
    %c0_i32 = arith.constant 0 : i32
    %c0_i32_0 = arith.constant 0 : i32
    %c0_i32_1 = arith.constant 0 : i32
    return %c0_i32, %c0_i32_0 : i32, i32
  }
  func.func @transform_7(%arg0: i32) -> (i32, i32) {
    %c0_i32 = arith.constant 0 : i32
    %c0_i32_0 = arith.constant 0 : i32
    %c0_i32_1 = arith.constant 0 : i32
    return %c0_i32, %c0_i32_0 : i32, i32
  }
  func.func @transform_8(%arg0: i32) -> i32 {
    %c0_i32 = arith.constant 0 : i32
    return %arg0 : i32
  }
  func.func @transform_9(%arg0: i32) -> i32 {
    %c0_i32 = arith.constant 0 : i32
    return %arg0 : i32
  }
}

module attributes {stable_mosaic.version = 14 : i64} {
  func.func @_finalize_body(%arg0: i32, %arg1: memref<32x2048xf32, #tpu.memory_space<vmem>>, %arg2: memref<12x2048xf32, #tpu.memory_space<vmem>>, %arg3: memref<1x1x2048xi32, #tpu.memory_space<vmem>>, %arg4: memref<32x4xf32, #tpu.memory_space<vmem>>, %arg5: memref<2x4xf32, #tpu.memory_space<vmem>>, %arg6: memref<1x4xf32, #tpu.memory_space<vmem>>, %arg7: memref<4x1xf32, #tpu.memory_space<vmem>>, %arg8: memref<1x1xf32, #tpu.memory_space<vmem>>, %arg9: memref<2x1xf32, #tpu.memory_space<vmem>>, %arg10: memref<4x1xf32, #tpu.memory_space<vmem>>, %arg11: memref<1x1xf32, #tpu.memory_space<vmem>>, %arg12: memref<1x1xf32, #tpu.memory_space<vmem>>, %arg13: memref<1x1xf32, #tpu.memory_space<vmem>>, %arg14: memref<1x1xf32, #tpu.memory_space<vmem>>, %arg15: memref<2048x1xf32, #tpu.memory_space<vmem>>, %arg16: memref<64x1xf32, #tpu.memory_space<vmem>>, %arg17: memref<64x9xf32, #tpu.memory_space<vmem>>) attributes {dimension_semantics = [#tpu.dimension_semantics<arbitrary>], iteration_bounds = array<i64: 25>, scalar_prefetch = 0 : i64, scratch_operands = 1 : i64, tpu.core_type = #tpu.core_type<tc>, window_params = [{transform_indices = @transform_0, window_bounds = array<i64: 32, 2048>}, {transform_indices = @transform_1, window_bounds = array<i64: 12, 2048>}, {transform_indices = @transform_2, window_bounds = array<i64: 1, 1, 2048>}, {pipeline_mode = #tpu.pipeline_mode<synchronous>, transform_indices = @transform_3, window_bounds = array<i64: 32, 4>}, {pipeline_mode = #tpu.pipeline_mode<synchronous>, transform_indices = @transform_4, window_bounds = array<i64: 2, 4>}, {pipeline_mode = #tpu.pipeline_mode<synchronous>, transform_indices = @transform_5, window_bounds = array<i64: 1, 4>}, {pipeline_mode = #tpu.pipeline_mode<synchronous>, transform_indices = @transform_6, window_bounds = array<i64: 4, 1>}, {pipeline_mode = #tpu.pipeline_mode<synchronous>, transform_indices = @transform_7, window_bounds = array<i64: 1, 1>}, {pipeline_mode = #tpu.pipeline_mode<synchronous>, transform_indices = @transform_8, window_bounds = array<i64: 2, 1>}, {pipeline_mode = #tpu.pipeline_mode<synchronous>, transform_indices = @transform_9, window_bounds = array<i64: 4, 1>}, {pipeline_mode = #tpu.pipeline_mode<synchronous>, transform_indices = @transform_10, window_bounds = array<i64: 1, 1>}, {pipeline_mode = #tpu.pipeline_mode<synchronous>, transform_indices = @transform_11, window_bounds = array<i64: 1, 1>}, {pipeline_mode = #tpu.pipeline_mode<synchronous>, transform_indices = @transform_12, window_bounds = array<i64: 1, 1>}, {pipeline_mode = #tpu.pipeline_mode<synchronous>, transform_indices = @transform_13, window_bounds = array<i64: 1, 1>}, {transform_indices = @transform_14, window_bounds = array<i64: 2048, 1>}, {pipeline_mode = #tpu.pipeline_mode<synchronous>, transform_indices = @transform_15, window_bounds = array<i64: 64, 1>}]} {
    %get3A = arith.constant 0 : index
    %get3A_0 = arith.constant 0 : index
    %get3A_1 = vector.load %arg2[%get3A, %get3A_0] : memref<12x2048xf32, #tpu.memory_space<vmem>>, vector<12x2048xf32>
    %slice3A = vector.extract_strided_slice %get3A_1 {offsets = [0, 0], sizes = [6, 2048], strides = [1, 1]} : vector<12x2048xf32> to vector<6x2048xf32>
    %slice3A_2 = vector.extract_strided_slice %get3A_1 {offsets = [6, 0], sizes = [6, 2048], strides = [1, 1]} : vector<12x2048xf32> to vector<6x2048xf32>
    %add3A = arith.addf %slice3A, %slice3A_2 : vector<6x2048xf32>
    %slice3A_3 = vector.extract_strided_slice %add3A {offsets = [0, 0], sizes = [2, 2048], strides = [1, 1]} : vector<6x2048xf32> to vector<2x2048xf32>
    %slice3A_4 = vector.extract_strided_slice %add3A {offsets = [2, 0], sizes = [1, 2048], strides = [1, 1]} : vector<6x2048xf32> to vector<1x2048xf32>
    %max3A = arith.constant 1.000000e+00 : f32
    %max3A_5 = vector.broadcast %max3A : f32 to vector<1x2048xf32>
    %max3A_6 = arith.maximumf %slice3A_4, %max3A_5 : vector<1x2048xf32>
    %div3A = vector.broadcast %max3A_6 : vector<1x2048xf32> to vector<2x2048xf32>
    %div3A_7 = arith.divf %slice3A_3, %div3A : vector<2x2048xf32>
    %get3A_8 = arith.constant 0 : index
    %get3A_9 = arith.constant 0 : index
    %get3A_10 = vector.load %arg1[%get3A_8, %get3A_9] : memref<32x2048xf32, #tpu.memory_space<vmem>>, vector<32x2048xf32>
    %get3A_11 = arith.constant 0 : index
    %get3A_12 = arith.constant 0 : index
    %get3A_13 = vector.load %arg4[%get3A_11, %get3A_12] : memref<32x4xf32, #tpu.memory_space<vmem>>, vector<32x4xf32>
    %dot_general3A = arith.constant dense<0.000000e+00> : vector<2048x4xf32>
    %dot_general3A_14 = tpu.matmul %get3A_10, %get3A_13, %dot_general3A {dimension_numbers = #tpu.dot_dimension_numbers<[0], [0], [1], [1], [0, 1, 1, 1], [], []>, transpose_lhs_hint = false} : vector<32x2048xf32>, vector<32x4xf32>, vector<2048x4xf32> -> vector<2048x4xf32>
    %get3A_15 = arith.constant 0 : index
    %get3A_16 = arith.constant 0 : index
    %get3A_17 = vector.load %arg5[%get3A_15, %get3A_16] : memref<2x4xf32, #tpu.memory_space<vmem>>, vector<2x4xf32>
    %dot_general3A_18 = arith.constant dense<0.000000e+00> : vector<2048x4xf32>
    %dot_general3A_19 = tpu.matmul %div3A_7, %get3A_17, %dot_general3A_18 {dimension_numbers = #tpu.dot_dimension_numbers<[0], [0], [1], [1], [0, 1, 1, 1], [], []>, transpose_lhs_hint = false} : vector<2x2048xf32>, vector<2x4xf32>, vector<2048x4xf32> -> vector<2048x4xf32>
    %add3A_20 = arith.addf %dot_general3A_14, %dot_general3A_19 : vector<2048x4xf32>
    %get3A_21 = arith.constant 0 : index
    %get3A_22 = arith.constant 0 : index
    %get3A_23 = vector.load %arg6[%get3A_21, %get3A_22] : memref<1x4xf32, #tpu.memory_space<vmem>>, vector<1x4xf32>
    %add3A_24 = vector.broadcast %get3A_23 : vector<1x4xf32> to vector<2048x4xf32>
    %add3A_25 = arith.addf %add3A_20, %add3A_24 : vector<2048x4xf32>
    %max3A_26 = arith.constant 0.000000e+00 : f32
    %max3A_27 = vector.broadcast %max3A_26 : f32 to vector<2048x4xf32>
    %max3A_28 = arith.maximumf %add3A_25, %max3A_27 : vector<2048x4xf32>
    %min3A = arith.constant 1.000000e+30 : f32
    %min3A_29 = vector.broadcast %min3A : f32 to vector<2048x4xf32>
    %min3A_30 = arith.minimumf %max3A_28, %min3A_29 : vector<2048x4xf32>
    %eq3A = arith.cmpf oeq, %min3A_30, %min3A_30 : vector<2048x4xf32>
    %jit3A = arith.constant 0.000000e+00 : f32
    %broadcast_in_dim3A = vector.broadcast %jit3A : f32 to vector<2048x4xf32>
    %select_n3A = arith.select %eq3A, %min3A_30, %broadcast_in_dim3A : vector<2048x4xi1>, vector<2048x4xf32>
    %get3A_31 = arith.constant 0 : index
    %get3A_32 = arith.constant 0 : index
    %get3A_33 = vector.load %arg7[%get3A_31, %get3A_32] : memref<4x1xf32, #tpu.memory_space<vmem>>, vector<4x1xf32>
    %dot_general3A_34 = arith.constant dense<0.000000e+00> : vector<2048x1xf32>
    %dot_general3A_35 = tpu.matmul %select_n3A, %get3A_33, %dot_general3A_34 {dimension_numbers = #tpu.dot_dimension_numbers<[1], [0], [0], [1], [0, 0, 1, 1], [], []>, transpose_lhs_hint = false} : vector<2048x4xf32>, vector<4x1xf32>, vector<2048x1xf32> -> vector<2048x1xf32>
    %get3A_36 = arith.constant 0 : index
    %get3A_37 = arith.constant 0 : index
    %get3A_38 = vector.load %arg8[%get3A_36, %get3A_37] : memref<1x1xf32, #tpu.memory_space<vmem>>, vector<1x1xf32>
    %add3A_39 = vector.broadcast %get3A_38 : vector<1x1xf32> to vector<2048x1xf32>
    %add3A_40 = arith.addf %dot_general3A_35, %add3A_39 : vector<2048x1xf32>
    %neg3A = arith.constant 0.000000e+00 : f32
    %neg3A_41 = vector.broadcast %neg3A : f32 to vector<2048x1xf32>
    %neg3A_42 = arith.subf %neg3A_41, %add3A_40 : vector<2048x1xf32>
    %exp3A = math.exp %neg3A_42 : vector<2048x1xf32>
    %add3A_43 = arith.constant 1.000000e+00 : f32
    %add3A_44 = vector.broadcast %add3A_43 : f32 to vector<2048x1xf32>
    %add3A_45 = arith.addf %add3A_44, %exp3A : vector<2048x1xf32>
    %div3A_46 = arith.constant 1.000000e+00 : f32
    %div3A_47 = vector.broadcast %div3A_46 : f32 to vector<2048x1xf32>
    %div3A_48 = arith.divf %div3A_47, %add3A_45 : vector<2048x1xf32>
    %swap3A = arith.constant 0 : index
    %swap3A_49 = arith.constant 0 : index
    %swap3A_50 = vector.load %arg15[%swap3A, %swap3A_49] : memref<2048x1xf32, #tpu.memory_space<vmem>>, vector<2048x1xf32>
    tpu.vector_store %arg15[%swap3A, %swap3A_49], %div3A_48 {strides = array<i32>} : memref<2048x1xf32, #tpu.memory_space<vmem>>, vector<2048x1xf32>,
    %get3A_51 = arith.constant 0 : index
    %get3A_52 = arith.constant 0 : index
    %get3A_53 = arith.constant 0 : index
    %get3A_54 = vector.load %arg3[%get3A_51, %get3A_52, %get3A_53] : memref<1x1x2048xi32, #tpu.memory_space<vmem>>, vector<1x1x2048xi32>
    %get3A_55 = vector.shape_cast %get3A_54 : vector<1x1x2048xi32> to vector<1x2048xi32>
    %iota3A = tpu.iota {dimensions = array<i32: 0>} : vector<64x2048xi32>
    %eq3A_56 = vector.broadcast %get3A_55 : vector<1x2048xi32> to vector<64x2048xi32>
    %eq3A_57 = arith.cmpi eq, %iota3A, %eq3A_56 : vector<64x2048xi32>
    %convert_element_type3A = arith.extui %eq3A_57 : vector<64x2048xi1> to vector<64x2048xi32>
    %convert_element_type3A_58 = arith.sitofp %convert_element_type3A : vector<64x2048xi32> to vector<64x2048xf32>
    %broadcast_in_dim3A_59 = arith.constant 1.000000e+00 : f32
    %broadcast_in_dim3A_60 = vector.broadcast %broadcast_in_dim3A_59 : f32 to vector<2048x1xf32>
    %concatenate3A = tpu.concatenate %select_n3A, %div3A_48, %broadcast_in_dim3A_60 in 1 : vector<2048x4xf32>, vector<2048x1xf32>, vector<2048x1xf32> -> vector<2048x6xf32>
    %dot_general3A_61 = arith.constant dense<0.000000e+00> : vector<64x6xf32>
    %dot_general3A_62 = tpu.matmul %convert_element_type3A_58, %concatenate3A, %dot_general3A_61 {dimension_numbers = #tpu.dot_dimension_numbers<[1], [0], [0], [1], [0, 0, 1, 1], [], []>, transpose_lhs_hint = false} : vector<64x2048xf32>, vector<2048x6xf32>, vector<64x6xf32> -> vector<64x6xf32>
    %slice3A_63 = vector.extract_strided_slice %add3A {offsets = [3, 0], sizes = [3, 2048], strides = [1, 1]} : vector<6x2048xf32> to vector<3x2048xf32>
    %dot_general3A_64 = arith.constant dense<0.000000e+00> : vector<64x3xf32>
    %dot_general3A_65 = tpu.matmul %convert_element_type3A_58, %slice3A_63, %dot_general3A_64 {dimension_numbers = #tpu.dot_dimension_numbers<[1], [1], [0], [0], [0, 0, 1, 0], [], []>, transpose_lhs_hint = false} : vector<64x2048xf32>, vector<3x2048xf32>, vector<64x3xf32> -> vector<64x3xf32>
    %concatenate3A_66 = tpu.concatenate %dot_general3A_62, %dot_general3A_65 in 1 : vector<64x6xf32>, vector<64x3xf32> -> vector<64x9xf32>
    %eq3A_67 = arith.constant 0 : i32
    %eq3A_68 = arith.cmpi eq, %arg0, %eq3A_67 : i32
    %convert_element_type3A_69 = arith.extui %eq3A_68 : i1 to i32
    %cond3A = arith.constant 0 : i32
    %cond3A_70 = arith.cmpi ne, %convert_element_type3A_69, %cond3A : i32
    scf.if %cond3A_70 {
      %broadcast_in_dim3A_83 = arith.constant 0.000000e+00 : f32
      %broadcast_in_dim3A_84 = vector.broadcast %broadcast_in_dim3A_83 : f32 to vector<64x9xf32>
      %swap3A_85 = arith.constant 0 : index
      %swap3A_86 = arith.constant 0 : index
      %swap3A_87 = vector.load %arg17[%swap3A_85, %swap3A_86] : memref<64x9xf32, #tpu.memory_space<vmem>>, vector<64x9xf32>
      tpu.vector_store %arg17[%swap3A_85, %swap3A_86], %broadcast_in_dim3A_84 {strides = array<i32>} : memref<64x9xf32, #tpu.memory_space<vmem>>, vector<64x9xf32>,
    } else {
    }
    %get3A_71 = arith.constant 0 : index
    %get3A_72 = arith.constant 0 : index
    %get3A_73 = vector.load %arg17[%get3A_71, %get3A_72] : memref<64x9xf32, #tpu.memory_space<vmem>>, vector<64x9xf32>
    %add3A_74 = arith.addf %get3A_73, %concatenate3A_66 : vector<64x9xf32>
    %swap3A_75 = arith.constant 0 : index
    %swap3A_76 = arith.constant 0 : index
    %swap3A_77 = vector.load %arg17[%swap3A_75, %swap3A_76] : memref<64x9xf32, #tpu.memory_space<vmem>>, vector<64x9xf32>
    tpu.vector_store %arg17[%swap3A_75, %swap3A_76], %add3A_74 {strides = array<i32>} : memref<64x9xf32, #tpu.memory_space<vmem>>, vector<64x9xf32>,
    %eq3A_78 = arith.constant 24 : i32
    %eq3A_79 = arith.cmpi eq, %arg0, %eq3A_78 : i32
    %convert_element_type3A_80 = arith.extui %eq3A_79 : i1 to i32
    %cond3A_81 = arith.constant 0 : i32
    %cond3A_82 = arith.cmpi ne, %convert_element_type3A_80, %cond3A_81 : i32
    scf.if %cond3A_82 {
      %get3A_83 = arith.constant 0 : index
      %get3A_84 = arith.constant 0 : index
      %get3A_85 = vector.load %arg17[%get3A_83, %get3A_84] : memref<64x9xf32, #tpu.memory_space<vmem>>, vector<64x9xf32>
      %slice3A_86 = vector.extract_strided_slice %get3A_85 {offsets = [0, 5], sizes = [64, 1], strides = [1, 1]} : vector<64x9xf32> to vector<64x1xf32>
      %max3A_87 = arith.constant 1.000000e+00 : f32
      %max3A_88 = vector.broadcast %max3A_87 : f32 to vector<64x1xf32>
      %max3A_89 = arith.maximumf %slice3A_86, %max3A_88 : vector<64x1xf32>
      %slice3A_90 = vector.extract_strided_slice %get3A_85 {offsets = [0, 8], sizes = [64, 1], strides = [1, 1]} : vector<64x9xf32> to vector<64x1xf32>
      %max3A_91 = arith.constant 1.000000e+00 : f32
      %max3A_92 = vector.broadcast %max3A_91 : f32 to vector<64x1xf32>
      %max3A_93 = arith.maximumf %slice3A_90, %max3A_92 : vector<64x1xf32>
      %slice3A_94 = vector.extract_strided_slice %get3A_85 {offsets = [0, 0], sizes = [64, 4], strides = [1, 1]} : vector<64x9xf32> to vector<64x4xf32>
      %div3A_95 = vector.broadcast %max3A_89 : vector<64x1xf32> to vector<64x4xf32>
      %div3A_96 = arith.divf %slice3A_94, %div3A_95 : vector<64x4xf32>
      %slice3A_97 = vector.extract_strided_slice %get3A_85 {offsets = [0, 4], sizes = [64, 1], strides = [1, 1]} : vector<64x9xf32> to vector<64x1xf32>
      %div3A_98 = arith.divf %slice3A_97, %max3A_89 : vector<64x1xf32>
      %slice3A_99 = vector.extract_strided_slice %get3A_85 {offsets = [0, 6], sizes = [64, 2], strides = [1, 1]} : vector<64x9xf32> to vector<64x2xf32>
      %div3A_100 = vector.broadcast %max3A_93 : vector<64x1xf32> to vector<64x2xf32>
      %div3A_101 = arith.divf %slice3A_99, %div3A_100 : vector<64x2xf32>
      %get3A_102 = arith.constant 0 : index
      %get3A_103 = arith.constant 0 : index
      %get3A_104 = vector.load %arg9[%get3A_102, %get3A_103] : memref<2x1xf32, #tpu.memory_space<vmem>>, vector<2x1xf32>
      %dot_general3A_105 = arith.constant dense<0.000000e+00> : vector<64x1xf32>
      %dot_general3A_106 = tpu.matmul %div3A_101, %get3A_104, %dot_general3A_105 {dimension_numbers = #tpu.dot_dimension_numbers<[1], [0], [0], [1], [0, 0, 1, 1], [], []>, transpose_lhs_hint = false} : vector<64x2xf32>, vector<2x1xf32>, vector<64x1xf32> -> vector<64x1xf32>
      %get3A_107 = arith.constant 0 : index
      %get3A_108 = arith.constant 0 : index
      %get3A_109 = vector.load %arg10[%get3A_107, %get3A_108] : memref<4x1xf32, #tpu.memory_space<vmem>>, vector<4x1xf32>
      %dot_general3A_110 = arith.constant dense<0.000000e+00> : vector<64x1xf32>
      %dot_general3A_111 = tpu.matmul %div3A_96, %get3A_109, %dot_general3A_110 {dimension_numbers = #tpu.dot_dimension_numbers<[1], [0], [0], [1], [0, 0, 1, 1], [], []>, transpose_lhs_hint = false} : vector<64x4xf32>, vector<4x1xf32>, vector<64x1xf32> -> vector<64x1xf32>
      %add3A_112 = arith.addf %dot_general3A_106, %dot_general3A_111 : vector<64x1xf32>
      %get3A_113 = arith.constant 0 : index
      %get3A_114 = arith.constant 0 : index
      %get3A_115 = vector.load %arg11[%get3A_113, %get3A_114] : memref<1x1xf32, #tpu.memory_space<vmem>>, vector<1x1xf32>
      %add3A_116 = vector.broadcast %get3A_115 : vector<1x1xf32> to vector<64x1xf32>
      %add3A_117 = arith.addf %add3A_112, %add3A_116 : vector<64x1xf32>
      %max3A_118 = arith.constant 0.000000e+00 : f32
      %max3A_119 = vector.broadcast %max3A_118 : f32 to vector<64x1xf32>
      %max3A_120 = arith.maximumf %add3A_117, %max3A_119 : vector<64x1xf32>
      %get3A_121 = arith.constant 0 : index
      %get3A_122 = arith.constant 0 : index
      %get3A_123 = vector.load %arg12[%get3A_121, %get3A_122] : memref<1x1xf32, #tpu.memory_space<vmem>>, vector<1x1xf32>
      %dot_general3A_124 = arith.constant dense<0.000000e+00> : vector<64x1xf32>
      %dot_general3A_125 = tpu.matmul %max3A_120, %get3A_123, %dot_general3A_124 {dimension_numbers = #tpu.dot_dimension_numbers<[1], [0], [0], [1], [0, 0, 1, 1], [], []>, transpose_lhs_hint = false} : vector<64x1xf32>, vector<1x1xf32>, vector<64x1xf32> -> vector<64x1xf32>
      %get3A_126 = arith.constant 0 : index
      %get3A_127 = arith.constant 0 : index
      %get3A_128 = vector.load %arg13[%get3A_126, %get3A_127] : memref<1x1xf32, #tpu.memory_space<vmem>>, vector<1x1xf32>
      %dot_general3A_129 = arith.constant dense<0.000000e+00> : vector<64x1xf32>
      %dot_general3A_130 = tpu.matmul %div3A_98, %get3A_128, %dot_general3A_129 {dimension_numbers = #tpu.dot_dimension_numbers<[1], [0], [0], [1], [0, 0, 1, 1], [], []>, transpose_lhs_hint = false} : vector<64x1xf32>, vector<1x1xf32>, vector<64x1xf32> -> vector<64x1xf32>
      %add3A_131 = arith.addf %dot_general3A_125, %dot_general3A_130 : vector<64x1xf32>
      %get3A_132 = arith.constant 0 : index
      %get3A_133 = arith.constant 0 : index
      %get3A_134 = vector.load %arg14[%get3A_132, %get3A_133] : memref<1x1xf32, #tpu.memory_space<vmem>>, vector<1x1xf32>
      %add3A_135 = vector.broadcast %get3A_134 : vector<1x1xf32> to vector<64x1xf32>
      %add3A_136 = arith.addf %add3A_131, %add3A_135 : vector<64x1xf32>
      %neg3A_137 = arith.constant 0.000000e+00 : f32
      %neg3A_138 = vector.broadcast %neg3A_137 : f32 to vector<64x1xf32>
      %neg3A_139 = arith.subf %neg3A_138, %add3A_136 : vector<64x1xf32>
      %exp3A_140 = math.exp %neg3A_139 : vector<64x1xf32>
      %add3A_141 = arith.constant 1.000000e+00 : f32
      %add3A_142 = vector.broadcast %add3A_141 : f32 to vector<64x1xf32>
      %add3A_143 = arith.addf %add3A_142, %exp3A_140 : vector<64x1xf32>
      %div3A_144 = arith.constant 1.000000e+00 : f32
      %div3A_145 = vector.broadcast %div3A_144 : f32 to vector<64x1xf32>
      %div3A_146 = arith.divf %div3A_145, %add3A_143 : vector<64x1xf32>
      %swap3A_147 = arith.constant 0 : index
      %swap3A_148 = arith.constant 0 : index
      %swap3A_149 = vector.load %arg16[%swap3A_147, %swap3A_148] : memref<64x1xf32, #tpu.memory_space<vmem>>, vector<64x1xf32>
      tpu.vector_store %arg16[%swap3A_147, %swap3A_148], %div3A_146 {strides = array<i32>} : memref<64x1xf32, #tpu.memory_space<vmem>>, vector<64x1xf32>,
    } else {
    }
    return
  }
  func.func @transform_0(%arg0: i32) -> (i32, i32) {
    %c0_i32 = arith.constant 0 : i32
    %c0_i32_0 = arith.constant 0 : i32
    return %c0_i32, %arg0 : i32, i32
  }
  func.func @transform_1(%arg0: i32) -> (i32, i32) {
    %c0_i32 = arith.constant 0 : i32
    %c0_i32_0 = arith.constant 0 : i32
    return %c0_i32, %arg0 : i32, i32
  }
  func.func @transform_2(%arg0: i32) -> (i32, i32, i32) {
    %c0_i32 = arith.constant 0 : i32
    %c0_i32_0 = arith.constant 0 : i32
    %c0_i32_1 = arith.constant 0 : i32
    return %arg0, %c0_i32, %c0_i32_0 : i32, i32, i32
  }
  func.func @transform_3(%arg0: i32) -> (i32, i32) {
    %c0_i32 = arith.constant 0 : i32
    %c0_i32_0 = arith.constant 0 : i32
    %c0_i32_1 = arith.constant 0 : i32
    return %c0_i32, %c0_i32_0 : i32, i32
  }
  func.func @transform_4(%arg0: i32) -> (i32, i32) {
    %c0_i32 = arith.constant 0 : i32
    %c0_i32_0 = arith.constant 0 : i32
    %c0_i32_1 = arith.constant 0 : i32
    return %c0_i32, %c0_i32_0 : i32, i32
  }
  func.func @transform_5(%arg0: i32) -> (i32, i32) {
    %c0_i32 = arith.constant 0 : i32
    %c0_i32_0 = arith.constant 0 : i32
    %c0_i32_1 = arith.constant 0 : i32
    return %c0_i32, %c0_i32_0 : i32, i32
  }
  func.func @transform_6(%arg0: i32) -> (i32, i32) {
    %c0_i32 = arith.constant 0 : i32
    %c0_i32_0 = arith.constant 0 : i32
    %c0_i32_1 = arith.constant 0 : i32
    return %c0_i32, %c0_i32_0 : i32, i32
  }
  func.func @transform_7(%arg0: i32) -> (i32, i32) {
    %c0_i32 = arith.constant 0 : i32
    %c0_i32_0 = arith.constant 0 : i32
    %c0_i32_1 = arith.constant 0 : i32
    return %c0_i32, %c0_i32_0 : i32, i32
  }
  func.func @transform_8(%arg0: i32) -> (i32, i32) {
    %c0_i32 = arith.constant 0 : i32
    %c0_i32_0 = arith.constant 0 : i32
    %c0_i32_1 = arith.constant 0 : i32
    return %c0_i32, %c0_i32_0 : i32, i32
  }
  func.func @transform_9(%arg0: i32) -> (i32, i32) {
    %c0_i32 = arith.constant 0 : i32
    %c0_i32_0 = arith.constant 0 : i32
    %c0_i32_1 = arith.constant 0 : i32
    return %c0_i32, %c0_i32_0 : i32, i32
  }
  func.func @transform_10(%arg0: i32) -> (i32, i32) {
    %c0_i32 = arith.constant 0 : i32
    %c0_i32_0 = arith.constant 0 : i32
    %c0_i32_1 = arith.constant 0 : i32
    return %c0_i32, %c0_i32_0 : i32, i32
  }
  func.func @transform_11(%arg0: i32) -> (i32, i32) {
    %c0_i32 = arith.constant 0 : i32
    %c0_i32_0 = arith.constant 0 : i32
    %c0_i32_1 = arith.constant 0 : i32
    return %c0_i32, %c0_i32_0 : i32, i32
  }
  func.func @transform_12(%arg0: i32) -> (i32, i32) {
    %c0_i32 = arith.constant 0 : i32
    %c0_i32_0 = arith.constant 0 : i32
    %c0_i32_1 = arith.constant 0 : i32
    return %c0_i32, %c0_i32_0 : i32, i32
  }
  func.func @transform_13(%arg0: i32) -> (i32, i32) {
    %c0_i32 = arith.constant 0 : i32
    %c0_i32_0 = arith.constant 0 : i32
    %c0_i32_1 = arith.constant 0 : i32
    return %c0_i32, %c0_i32_0 : i32, i32
  }
  func.func @transform_14(%arg0: i32) -> (i32, i32) {
    %c0_i32 = arith.constant 0 : i32
    %c0_i32_0 = arith.constant 0 : i32
    return %arg0, %c0_i32 : i32, i32
  }
  func.func @transform_15(%arg0: i32) -> (i32, i32) {
    %c0_i32 = arith.constant 0 : i32
    %c0_i32_0 = arith.constant 0 : i32
    %c0_i32_1 = arith.constant 0 : i32
    return %c0_i32, %c0_i32_0 : i32, i32
  }
}

</mosaic_0001>

<sc_bundles>
// kernel: kernel.6.cloned.1.call-start
scs
__scs_entry_jumppad:
0x0: {  	(pc) =	sbr.rel $0x88, $3  }
0x1: {  	(tag) =	ssettag $0x0;
	lr =	simm.s32 $0x1  }
0x2: {  	[smem:$0x3F82] =	sst lr;
	_ =	strace $0xD0000000  }
0x3: {  	_ = 	snop  }
0x4: {  	_ = 	snop  }
0x5: {  	_ = 	snop  }
0x6: {  	_ = 	snop  }
0x7: {  	_ = 	snop  }
__scs_overlays_trampoline_lowered:
0x8: {  	[smem:$0x3F91] =	sst s0  }
0x9: {  	[smem:$0x3F92] =	sst s1  }
0xa: {  	[smem:$0x3F93] =	sst s2  }
0xb: {  	[smem:$0x3F94] =	sst s3  }
0xc: {  	[smem:$0x3F95] =	sst s4  }
0xd: {  	[smem:$0x3F96] =	sst s5  }
0xe: {  	[smem:$0x3F97] =	sst s6  }
0xf: {  	[smem:$0x3F98] =	sst s7  }
0x10: {  	[smem:$0x3F99] =	sst s8  }
0x11: {  	[smem:$0x3F9A] =	sst s9;
	s0 =	simm.s32 @!p0 $0x0  }
0x12: {  	s1 =	sld [smem:$0x3F80];
	s0 =	simm.s32 @p0 $0x1  }
0x13: {  	[smem:$0x3F9B] =	sst s0;
	s0 =	simm.s32 @!p1 $0x0  }
0x14: {  	s2 =	sld [smem:$0x3F7F];
	s0 =	simm.s32 @p1 $0x1  }
0x15: {  	[smem:$0x3F9C] =	sst s0;
	s0 =	simm.s32 @!p2 $0x0  }
0x16: {  	s3 =	sld [smem:$0x3FDB];
	s0 =	simm.s32 @p2 $0x1  }
0x17: {  	s4 =	simm.s32 $0x1BF5;
	[smem:$0x3F9E] =	sst s0  }
0x18: {  	s0 =	sld [smem:$0x3F81];
	_ =	swait.ge [sflag:s4], $0x0  }
0x19: {  	s7 =	sld [smem:$0x3F82]  }
0x1a: {  	s8 =	sadd.s32 $0xFFFFE003, lr  }
0x1b: {  	s9 =	sadd.s32 $0xFFFFFEF7, lr;
	s5 =	simm.s32 $0xFFFFFFFF;
	p2 =	slt.u32 s8, $0xFFFFF086  }
0x1c: {  	p1 =	slt.u32 s9, $0xF7A;
	s5 =	simm.s32 @!p2 $0x0  }
0x1d: {  	s5 =	simm.s32 @p1 $0x1;
	p0 =	seq.s32 s7, s2  }
0x1e: {  	s7 =	smul.u32 @!p0 $0xF7A, s2;
	p2 =	seq.s32 @!p0 s5, $0x0  }
0x1f: {  	s9 =	smul.u32 $0xF7A, s1;
	s8 =	simm.s32 @!p0 $0x1BF5;
	p2 =	por !p2, p0  }
0x20: {  	[sflag:s8] =	ssyncset.s32 @!p0 $0xFFFFF086;
	s6 =	sadd.s32 @!p0 s3, s7;
	s7 =	simm.s32 @!p0 $0x108  }
0x21: {  	s3 =	sadd.s32 s3, s9;
	s6 =	sadd.s32 @!p0 $0x88, s6;
	s7 =	simm.s32 @p2 $0x1082  }
0x22: {  	[simem:s7], [sflag:s8] =	dma.local @!p0 [hbm:s6], $0xF7A  }
0x23: {  	s9 =	sor.u32 $0xD0000000, s2;
	s6 =	simm.s32 $0x108;
	_ =	swait.ge @!p0 [sflag:s8], $0x0  }
0x24: {  	s3 =	sadd.s32 $0x88, s3;
	s6 =	simm.s32 @!p1 $0x1082;
	[sflag:s4] =	ssyncset.s32 $0xFFFFF086  }
0x25: {  	[simem:s6], [sflag:s4] =	dma.local [hbm:s3], $0xF7A  }
0x26: {  	[smem:$0x3F82] =	sst s1;
	(tag) =	ssettag s2;
	_ =	strace s9  }
0x27: {  	s1 =	sld [smem:$0x3F92]  }
0x28: {  	s2 =	sld [smem:$0x3F93]  }
0x29: {  	s4 =	sld [smem:$0x3F95]  }
0x2a: {  	p0 =	seq.s32 s5, $0x0;
	s5 =	sld [smem:$0x3F96]  }
0x2b: {  	s6 =	sld [smem:$0x3F97]  }
0x2c: {  	s7 =	sld [smem:$0x3F98]  }
0x2d: {  	s3 =	simm.s32 $0x108;
	s8 =	sld [smem:$0x3F99]  }
0x2e: {  	s3 =	simm.s32 @!p0 $0x1082;
	s9 =	sld [smem:$0x3F9A]  }
0x2f: {  	lr =	sadd.s32 s0, s3;
	s0 =	sld [smem:$0x3F91]  }
0x30: {  	s3 =	sld [smem:$0x3F94]  }
0x31: {  	[smem:$0x3F9D] =	sst s10  }
0x32: {  	s10 =	sld [smem:$0x3F9B];
	_ =	sdelay $0x3  }
0x33: {  	p0 =	seq.s32 s10, $0x1;
	s10 =	sld [smem:$0x3F9D];
	_ =	sdelay $0x3  }
0x34: {  	[smem:$0x3F9D] =	sst s10  }
0x35: {  	s10 =	sld [smem:$0x3F9C];
	_ =	sdelay $0x3  }
0x36: {  	p1 =	seq.s32 s10, $0x1;
	s10 =	sld [smem:$0x3F9D];
	_ =	sdelay $0x3  }
0x37: {  	[smem:$0x3F9D] =	sst s10  }
0x38: {  	s10 =	sld [smem:$0x3F9E]  }
0x39: {  	_ = 	snop;
	(pc) =	sbr.ind lr, $3  }
0x3a: {  	_ = 	snop  }
0x3b: {  	_ = 	snop  }
0x3c: {  	p2 =	seq.s32 s10, $0x1;
	s10 =	sld [smem:$0x3F9D]  }
0x3d: {  	_ =	shalt  }
0x3e: {  	_ =	shalt  }
0x3f: {  	_ =	shalt  }
0x40: {  	_ =	shalt  }
0x41: {  	_ =	shalt  }
0x42: {  	_ =	shalt  }
0x43: {  	_ =	shalt  }
0x44: {  	_ =	shalt  }
0x45: {  	_ =	shalt  }
0x46: {  	_ =	shalt  }
0x47: {  	_ =	shalt  }
0x48: {  	_ =	shalt  }
0x49: {  	_ =	shalt  }
0x4a: {  	_ =	shalt  }
0x4b: {  	_ =	shalt  }
0x4c: {  	_ =	shalt  }
0x4d: {  	_ =	shalt  }
0x4e: {  	_ =	shalt  }
0x4f: {  	_ =	shalt  }
0x50: {  	_ =	shalt  }
0x51: {  	_ =	shalt  }
0x52: {  	_ =	shalt  }
0x53: {  	_ =	shalt  }
0x54: {  	_ =	shalt  }
0x55: {  	_ =	shalt  }
0x56: {  	_ =	shalt  }
0x57: {  	_ =	shalt  }
0x58: {  	_ =	shalt  }
0x59: {  	_ =	shalt  }
0x5a: {  	_ =	shalt  }
0x5b: {  	_ =	shalt  }
0x5c: {  	_ =	shalt  }
0x5d: {  	_ =	shalt  }
0x5e: {  	_ =	shalt  }
0x5f: {  	_ =	shalt  }
0x60: {  	_ =	shalt  }
0x61: {  	_ =	shalt  }
0x62: {  	_ =	shalt  }
0x63: {  	_ =	shalt  }
0x64: {  	_ =	shalt  }
0x65: {  	_ =	shalt  }
0x66: {  	_ =	shalt  }
0x67: {  	_ =	shalt  }
0x68: {  	_ =	shalt  }
0x69: {  	_ =	shalt  }
0x6a: {  	_ =	shalt  }
0x6b: {  	_ =	shalt  }
0x6c: {  	_ =	shalt  }
0x6d: {  	_ =	shalt  }
0x6e: {  	_ =	shalt  }
0x6f: {  	_ =	shalt  }
0x70: {  	_ =	shalt  }
0x71: {  	_ =	shalt  }
0x72: {  	_ =	shalt  }
0x73: {  	_ =	shalt  }
0x74: {  	_ =	shalt  }
0x75: {  	_ =	shalt  }
0x76: {  	_ =	shalt  }
0x77: {  	_ =	shalt  }
0x78: {  	_ =	shalt  }
0x79: {  	_ =	shalt  }
0x7a: {  	_ =	shalt  }
0x7b: {  	_ =	shalt  }
0x7c: {  	_ =	shalt  }
0x7d: {  	_ =	shalt  }
0x7e: {  	_ =	shalt  }
0x7f: {  	_ =	shalt  }
0x80: {  	_ =	shalt  }
0x81: {  	_ =	shalt  }
0x82: {  	_ =	shalt  }
0x83: {  	_ =	shalt  }
0x84: {  	_ =	shalt  }
0x85: {  	_ =	shalt  }
0x86: {  	_ =	shalt  }
0x87: {  	_ =	shalt  }
.Lfunc_end0:
.L_simem_size_0:
called_computation_lowered:
.L_overlay_start_0:
0x88: {  	s2 =	sld [smem:$0x3FD9]  }
0x89: {  	s3 =	sld [smem:$0x3FFE];
	_ =	sdelay $0x1  }
0x8a: {  	s1 =	srdreg.scid  }
0x8b: {  	s0 =	sand.u32 $0x1, s1  }
0x8c: {  	s14 =	sshll.u32 s0, $0xA;
	s2 =	sadd.s32 s3, s2  }
0x8d: {  	s2 =	sadd.s32 s2, s14  }
0x8e: {  	[smem:$0x3FA9] =	sst s2  }
0x8f: {  	_ = 	snop  }
0x90: {  	s2 =	sld [smem:$0x3FD0];
	_ =	sdelay $0x1  }
0x91: {  	s15 =	sld [smem:$0x3FC7]  }
0x92: {  	s5 =	simm.s32 $0xA;
	s6 =	simm.s32 $0x10;
	s4 =	sld [smem:$0x3FC6]  }
0x93: {  	[smem:s6], [sflag:s5] =	dma.local [hbm:s2], $0x1  }
0x94: {  	_ =	swait.eq [sflag:s5], $0x1  }
0x95: {  	[sflag:s5] =	ssyncset.done $0x0  }
0x96: {  	[sflag:s5] =	ssyncadd.s32 $0xFFFFFFFF  }
0x97: {  	s16 =	sld [smem:$0x10];
	(tm) =	ssettm $0x1  }
0x98: {  	s17 =	sld [smem:$0x3FFB];
	_ =	sdelay $0x3  }
0x99: {  	_ =	strace s17  }
0x9a: {  	s5 =	sld [smem:$0x3FFC];
	_ =	sdelay $0x3  }
0x9b: {  	_ =	strace s5  }
0x9c: {  	s5 =	sld [smem:$0x3FFD];
	_ =	sdelay $0x3  }
0x9d: {  	_ =	strace s5  }
0x9e: {  	_ =	strace $0x8FFFFFFF  }
0x9f: {  	s18 =	sld [smem:$0x3FDB];
	_ =	sdelay $0x1  }
0xa0: {  	s19 =	simm.s32 $_scs_section_size  }
0xa1: {  	s7 =	simm.s32 $_size__tile_overlayer_lowered;
	s8 =	simm.s32 $_tile_overlayer_lowered  }
0xa2: {  	s22 =	simm.s32 $0x1BFF;
	s21 =	sshll.u32 s8, $0x1;
	s5 =	sadd.s32 s19, s18  }
0xa3: {  	s9 =	simm.s32 $0x0;
	s20 =	sshll.u32 s7, $0x1;
	s7 =	sadd.s32 s21, s5  }
0xa4: {  	[timem:s9], [sflag:s22] =	dma.local [hbm:s7], s20  }
0xa5: {  	_ =	swait.ge [sflag:s22], s20  }
0xa6: {  	s6 =	ssub.s32 $0x0, s20;
	[sflag:s22] =	ssyncset.done $0x0  }
0xa7: {  	[sflag:s22] =	ssyncadd.s32 s6;
	_ =	sdelay $0x1  }
0xa8: {  	s23 =	simm.s32 $0x1B8B  }
0xa9: {  	_ =	swait.ge [sflag:s23], $0x1  }
0xaa: {  	[sflag:s23] =	ssyncset.done $0x0  }
0xab: {  	s25 =	simm.s32 $0x1B8E;
	s24 =	sld [smem:$0x3FFE];
	[sflag:s23] =	ssyncadd.s32 $0xFFFFFFFF  }
0xac: {  	s26 =	simm.s32 $execute0_lowered;
	[smem:$0x3FD2] =	sst s25  }
0xad: {  	s7 =	sshll.u32 s26, $0x1;
	_ =	strace $0x80000046;
	[dreg:$0x1] =	wrdreg $0xFFFFFFFF  }
0xae: {  	s28 =	simm.s32 $_size_execute0_lowered;
	s5 =	sadd.s32 s5, s7;
	[dreg:$0x0] =	wrdreg $0x0  }
0xaf: {  	s7 =	sshll.u32 s28, $0x1;
	[dreg:$0x2] =	wrdreg s5  }
0xb0: {  	[dreg:$0x3] =	wrdreg s7  }
0xb1: {  	[dreg:$0x4] =	wrdreg $0xC0  }
0xb2: {  	_ =	task [dreg:s9], $0x5FFFF  }
0xb3: {  	[dreg:$0x1] =	wrdreg $0xFFFFFFFF  }
0xb4: {  	[dreg:$0x0] =	wrdreg $0x60  }
0xb5: {  	[dreg:$0x2] =	wrdreg s15  }
0xb6: {  	[dreg:$0x3] =	wrdreg s4  }
0xb7: {  	[dreg:$0x4] =	wrdreg s24  }
0xb8: {  	[dreg:$0x5] =	wrdreg s16  }
0xb9: {  	[dreg:$0x6] =	wrdreg $0x44800  }
0xba: {  	[dreg:$0x7] =	wrdreg $0x51000  }
0xbb: {  	[dreg:$0x8] =	wrdreg $0x5D800  }
0xbc: {  	[dreg:$0x9] =	wrdreg $0x6A000  }
0xbd: {  	[dreg:$0xa] =	wrdreg $0x76800  }
0xbe: {  	[dreg:$0xb] =	wrdreg $0x83000  }
0xbf: {  	[dreg:$0xc] =	wrdreg $0x8F800  }
0xc0: {  	[dreg:$0xd] =	wrdreg $0x9C000  }
0xc1: {  	[dreg:$0xe] =	wrdreg $0x9  }
0xc2: {  	_ =	task.clear_ibuf [dreg:s9], $0xFFFFF;
	_ =	strace $0x90000046  }
0xc3: {  	s29 =	simm.s32 $0x9;
	_ =	strace $0x80000048  }
0xc4: {  	_ =	swait.ge [sflag:s29], $0x1  }
0xc5: {  	[sflag:s29] =	ssyncadd.s32 $0xFFFFFFFF  }
0xc6: {  	_ =	strace $0x90000048  }
0xc7: {  	_ =	sfence  }
0xc8: {  	s30 =	sld [smem:$0x0];
	_ =	sdelay $0x2  }
0xc9: {  	s31 =	sshll.u32 s1, $0xD;
	s1 =	sshrl.u32 s1, $0x2  }
0xca: {  	s3 =	sand.u32 $0x4000, s31;
	s1 =	sadd.s32 s1, s30  }
0xcb: {  	s0 =	sor.u32 s3, s0;
	s1 =	sshll.u32 s1, $0x11  }
0xcc: {  	s0 =	sor.u32 s1, s0  }
0xcd: {  	s0 =	sadd.s32 $0x8F2B, s0  }
0xce: {  	[sflag:s0] =	ssyncadd.remote.s32 $0x1  }
0xcf: {  	_ =	sfence.sel $0xFFFF  }
0xd0: {  	[dreg:$0x0] =	wrdreg $0xFFFFFFFF;
	(pc) =	sbr.abs _section_cstart, $3  }
0xd1: {  	[dreg:$0x1] =	wrdreg $0xFFFFFFFF  }
0xd2: {  	_ =	task.clear_ibuf [dreg:s9], $0x2FFFF;
	_ =	strace $0x9FFFFFFF  }
0xd3: {  	(tm) =	ssettm $0x7FFFFFFF  }
tec
execute0_lowered:
.L_overlay_start_1:
0x0: {  	(tag) =	ssettag $0x1  }
0x1: {  	s0 =	rddreg [dreg:$0x0]  }
0x2: {  	s1 =	rddreg [dreg:$0x1]  }
0x3: {  	s2 =	rddreg [dreg:$0x2]  }
0x4: {  	s3 =	rddreg [dreg:$0x4]  }
0x5: {  	s4 =	rddreg [dreg:$0x5]  }
0x6: {  	s6 =	rddreg [dreg:$0x6]  }
0x7: {  	s7 =	rddreg [dreg:$0x7]  }
0x8: {  	s8 =	rddreg [dreg:$0x8]  }
0x9: {  	s10 =	rddreg [dreg:$0x9]  }
0xa: {  	s11 =	rddreg [dreg:$0xa]  }
0xb: {  	s12 =	rddreg [dreg:$0xb];
	s19 =	stileid.u32  }
0xc: {  	s5 =	srdreg.scid;
	s13 =	simm.s32 $0x0;
	s9 =	smul.u32 $0xC80, s19  }
0xd: {  	s5 =	sand.u32 $0x1, s5;
	[smem:$0x7FF] =	sst s13  }
0xe: {  	s26 =	sshll.u32 s19, $0x1;
	_ =	strace $0x80000047;
	s21 =	sadd.s32 s9, s3  }
0xf: {  	s18 =	ssub.s32 $0x2, s5;
	s23 =	sadd.s32 s9, s4;
	[dreg:$0xe] =	wrdreg s21  }
0x10: {  	s17 =	sshrl.u32 s9, $0x3;
	s24 =	sadd.s32 s9, s7;
	[dreg:$0x10] =	wrdreg s23  }
0x11: {  	s25 =	sshrl.u32 s18, $0x1;
	s28 =	sadd.s32 s9, s6;
	[dreg:$0x13] =	wrdreg s24  }
0x12: {  	s18 =	ssub.s32 s18, s25;
	s25 =	sadd.s32 s9, s8;
	[dreg:$0x12] =	wrdreg s28  }
0x13: {  	s21 =	sor.u32 s26, s5;
	s26 =	sadd.s32 s9, s11;
	[dreg:$0x14] =	wrdreg s25  }
0x14: {  	s17 =	sadd.s32 s17, s2;
	s24 =	sadd.s32 s9, s10;
	[dreg:$0x1f] =	wrdreg s26  }
0x15: {  	s14 =	sadd.s32 $0x5800, s2;
	s20 =	sadd.s32 $0x2400, s17;
	[dreg:$0x15] =	wrdreg s24  }
0x16: {  	s16 =	smul.u32 $0x4B000, s5;
	s22 =	sadd.s32 $0x3E00, s17;
	[dreg:$0xd] =	wrdreg s20  }
0x17: {  	s15 =	sadd.s32 $0x1E800, s2;
	s17 =	sadd.s32 $0x37800, s17;
	[dreg:$0xf] =	wrdreg s22  }
0x18: {  	s16 =	sadd.s32 s9, s16;
	s26 =	smax.u32 s18, $0x1;
	[dreg:$0x11] =	wrdreg s17  }
0x19: {  	s16 =	sshrl.u32 s16, $0x3;
	s18 =	simm.s32 $0x0;
	[dreg:$0x1d] =	wrdreg s26  }
0x1a: {  	s25 =	sadd.s32 s9, s12;
	s2 =	sadd.s32 s16, s2;
	[dreg:$0x1e] =	wrdreg s18  }
0x1b: {  	s29 =	simm.s32 $0x800;
	[dreg:$0x16] =	wrdreg s25;
	s16 =	sadd.s32 $0x39200, s2  }
0x1c: {  	s30 =	simm.s32 $0x1000;
	s17 =	sadd.s32 $0x3AB00, s2;
	[dreg:$0x17] =	wrdreg s16  }
0x1d: {  	s31 =	simm.s32 $0x1800;
	s19 =	sadd.s32 $0x3C400, s2;
	[dreg:$0x18] =	wrdreg s17  }
0x1e: {  	s5 =	simm.s32 $0x1;
	s20 =	sadd.s32 $0x3DD00, s2;
	[dreg:$0x19] =	wrdreg s19  }
0x1f: {  	s23 =	ssub.s32 $0x1AF, s21;
	s22 =	sadd.s32 $0x3F600, s2;
	[dreg:$0x1a] =	wrdreg s20  }
0x20: {  	s9 =	simm.s32 $0x7D0;
	s2 =	sadd.s32 $0x40F00, s2;
	[dreg:$0x1b] =	wrdreg s22  }
0x21: {  	s26 =	simm.s32 $0x3800;
	[dreg:$0x1c] =	wrdreg s2;
	s16 =	sshrl.u32 s23, $0x5  }
0x22: {  	s19 =	simm.s32 $0x4;
	s20 =	simm.s32 $0x3000;
	s2 =	simm.s32 $0x2000  }
0x23: {  	s17 =	simm.s32 $0x2800;
	s22 =	simm.s32 $0x2;
	s23 =	simm.s32 $0x3  }
.LBB2_1:
0x24: {  	s18 =	smov.u32 s24;
	s24 =	rddreg [dreg:$0xd]  }
0x25: {  	[tilespmem:s26], [sflag:$0x4] =	stream.linear.gather [hbm4b:s24+s13], $0xC80, $0x38;
	[tilespmem:$0xA880] =	vst v63  }
0x26: {  	_ =	swait.ge [sflag:s19], $0xC80  }
0x27: {  	[sflag:s19] =	ssyncset.done $0x0  }
0x28: {  	s24 =	rddreg [dreg:$0xe];
	[sflag:s19] =	ssyncadd.s32 $0xFFFFF380  }
0x29: {  	[spmem:s24] =	stream.linear.scatter [tilespmem:s26], [sflag:$0x4], $0xC80, $0x38;
	[tilespmem:$0xA880] =	vst v63  }
0x2a: {  	_ =	swait.ge [sflag:s19], $0xC80  }
0x2b: {  	[sflag:s19] =	ssyncset.done $0x0  }
0x2c: {  	s24 =	rddreg [dreg:$0xf];
	[sflag:s19] =	ssyncadd.s32 $0xFFFFF380  }
0x2d: {  	[tilespmem:s26], [sflag:$0x4] =	stream.linear.gather [hbm4b:s24+s13], $0xC80, $0x38;
	[tilespmem:$0xA880] =	vst v63  }
0x2e: {  	_ =	swait.ge [sflag:s19], $0xC80  }
0x2f: {  	[sflag:s19] =	ssyncset.done $0x0  }
0x30: {  	s24 =	rddreg [dreg:$0x10];
	[sflag:s19] =	ssyncadd.s32 $0xFFFFF380  }
0x31: {  	[spmem:s24] =	stream.linear.scatter [tilespmem:s26], [sflag:$0x4], $0xC80, $0x38;
	[tilespmem:$0xA880] =	vst v63  }
0x32: {  	_ =	swait.ge [sflag:s19], $0xC80  }
0x33: {  	[sflag:s19] =	ssyncset.done $0x0  }
0x34: {  	s24 =	rddreg [dreg:$0x11];
	[sflag:s19] =	ssyncadd.s32 $0xFFFFF380  }
0x35: {  	[tilespmem:s26], [sflag:$0x4] =	stream.linear.gather [hbm4b:s24+s13], $0xC80, $0x38;
	[tilespmem:$0xA880] =	vst v63  }
0x36: {  	_ =	swait.ge [sflag:s19], $0xC80  }
0x37: {  	[sflag:s19] =	ssyncset.done $0x0  }
0x38: {  	[sflag:s19] =	ssyncadd.s32 $0xFFFFF380  }
0x39: {  	[spmem:s28] =	stream.linear.scatter [tilespmem:s26], [sflag:$0x4], $0xC80, $0x38;
	[tilespmem:$0xA880] =	vst v63  }
0x3a: {  	_ =	swait.ge [sflag:s19], $0xC80  }
0x3b: {  	[sflag:s19] =	ssyncset.done $0x0  }
0x3c: {  	s28 =	rddreg [dreg:$0x13];
	[sflag:s19] =	ssyncadd.s32 $0xFFFFF380  }
0x3d: {  	[spmem:s28] =	stream.linear.scatter [tilespmem:s26], [sflag:$0x4], $0xC80, $0x38;
	[tilespmem:$0xA880] =	vst v63  }
0x3e: {  	_ =	swait.ge [sflag:s19], $0xC80  }
0x3f: {  	[sflag:s19] =	ssyncset.done $0x0  }
0x40: {  	s28 =	rddreg [dreg:$0x14];
	[sflag:s19] =	ssyncadd.s32 $0xFFFFF380  }
0x41: {  	[spmem:s28] =	stream.linear.scatter [tilespmem:s26], [sflag:$0x4], $0xC80, $0x38;
	[tilespmem:$0xA880] =	vst v63  }
0x42: {  	_ =	swait.ge [sflag:s19], $0xC80  }
0x43: {  	[sflag:s19] =	ssyncset.done $0x0  }
0x44: {  	[sflag:s19] =	ssyncadd.s32 $0xFFFFF380  }
0x45: {  	[spmem:s18] =	stream.linear.scatter [tilespmem:s26], [sflag:$0x4], $0xC80, $0x38;
	[tilespmem:$0xA880] =	vst v63  }
0x46: {  	_ =	swait.ge [sflag:s19], $0xC80  }
0x47: {  	[sflag:s19] =	ssyncset.done $0x0  }
0x48: {  	s24 =	rddreg [dreg:$0x1f];
	[sflag:s19] =	ssyncadd.s32 $0xFFFFF380  }
0x49: {  	[spmem:s24] =	stream.linear.scatter [tilespmem:s26], [sflag:$0x4], $0xC80, $0x38;
	[tilespmem:$0xA880] =	vst v63  }
0x4a: {  	_ =	swait.ge [sflag:s19], $0xC80  }
0x4b: {  	[sflag:s19] =	ssyncset.done $0x0  }
0x4c: {  	[sflag:s19] =	ssyncadd.s32 $0xFFFFF380  }
0x4d: {  	[spmem:s25] =	stream.linear.scatter [tilespmem:s26], [sflag:$0x4], $0xC80, $0x38;
	[tilespmem:$0xA880] =	vst v63  }
0x4e: {  	_ =	swait.ge [sflag:s19], $0xC80  }
0x4f: {  	[sflag:s19] =	ssyncset.done $0x0  }
0x50: {  	[sflag:s19] =	ssyncadd.s32 $0xFFFFF380  }
0x51: {  	s28 =	rddreg [dreg:$0x3]  }
0x52: {  	[tilespmem:s20], [sflag:$0x4] =	stream.linear.gather [hbm4b:s28+s13], $0x800, $0x38;
	[tilespmem:$0xA880] =	vst v63  }
0x53: {  	_ =	swait.ge [sflag:s19], $0x800  }
0x54: {  	[sflag:s19] =	ssyncset.done $0x0  }
0x55: {  	[sflag:s19] =	ssyncadd.s32 $0xFFFFF800  }
0x56: {  	s18 =	simm.s32 $0x3800;
	s25 =	simm.s32 $0x0;
	[bflag:$0x0] =	sbarrier.arrive $0xFFFF  }
.LBB2_2:
0x57: {  	s26 =	sshll.u32 s25, $0x5  }
0x58: {  	s26 =	sor.u32 s21, s26  }
0x59: {  	s26 =	smul.u32 $0x7D0, s26;
	_ =	sdelay $0x1  }
0x5a: {  	s26 =	sshrl.u32 s26, $0x3  }
0x5b: {  	s24 =	simm.s32 $0x0;
	s28 =	sadd.s32 s0, s26  }
0x5c: {  	[tilespmem:s24], [sflag:$0x1] =	stream.linear.gather [hbm4b:s28+s24], $0x7D0, $0x38;
	[tilespmem:$0xA880] =	vst v63  }
0x5d: {  	s28 =	sadd.s32 s1, s26  }
0x5e: {  	[tilespmem:s29], [sflag:$0x1] =	stream.linear.gather [hbm4b:s28+s24], $0x7D0, $0x38;
	[tilespmem:$0xA880] =	vst v63  }
0x5f: {  	s28 =	sadd.s32 s14, s26  }
0x60: {  	[tilespmem:s30], [sflag:$0x1] =	stream.linear.gather [hbm4b:s28+s24], $0x7D0, $0x38;
	[tilespmem:$0xA880] =	vst v63  }
0x61: {  	s26 =	sadd.s32 s15, s26  }
0x62: {  	[tilespmem:s31], [sflag:$0x1] =	stream.linear.gather [hbm4b:s26+s24], $0x7D0, $0x38;
	[tilespmem:$0xA880] =	vst v63  }
0x63: {  	_ =	swait.ge [sflag:s5], $0x7D0  }
0x64: {  	[sflag:s5] =	ssyncset.done $0x0  }
0x65: {  	[sflag:s5] =	ssyncadd.s32 $0xFFFFF830  }
0x66: {  	[tilespmem:s2], [sflag:$0x2] =	stream.indirect.gather [spmem:s3], $0x1, s24, s9, $0xb8;
	[tilespmem:$0xA880] =	vst v63  }
0x67: {  	_ = 	snop  }
0x68: {  	[tilespmem:s17], [sflag:$0x2] =	stream.indirect.gather [spmem:s4], $0x1, s24, s9, $0xb8;
	[tilespmem:$0xA880] =	vst v63  }
0x69: {  	_ =	swait.ge [sflag:s5], $0x7D0  }
0x6a: {  	[sflag:s5] =	ssyncset.done $0x0  }
0x6b: {  	[sflag:s5] =	ssyncadd.s32 $0xFFFFF830  }
0x6c: {  	_ =	swait.ge [sflag:s5], $0x7D0  }
0x6d: {  	[sflag:s5] =	ssyncset.done $0x0  }
0x6e: {  	[sflag:s5] =	ssyncadd.s32 $0xFFFFF830  }
0x6f: {  	_ =	swait.ge [sflag:s5], $0x7D0  }
0x70: {  	[sflag:s5] =	ssyncset.done $0x0  }
0x71: {  	[sflag:s5] =	ssyncadd.s32 $0xFFFFF830  }
0x72: {  	_ =	swait.ge [sflag:s22], $0x7D0  }
0x73: {  	[sflag:s22] =	ssyncset.done $0x0  }
0x74: {  	[sflag:s22] =	ssyncadd.s32 $0xFFFFF830  }
0x75: {  	_ =	swait.ge [sflag:s22], $0x7D0  }
0x76: {  	[sflag:s22] =	ssyncset.done $0x0  }
0x77: {  	s26 =	simm.s32 $0x0;
	[sflag:s22] =	ssyncadd.s32 $0xFFFFF830  }
0x78: {  	v0 =	vld [tilespmem:s26+$0x2000]  }
0x79: {  	v1 =	vld [tilespmem:s26+$0x2800]  }
0x7a: {  	s28 =	simm.s32 $0x40;
	v2 =	vld [tilespmem:s26+$0x1000]  }
.LBB2_3:
0x7b: {  	p0 =	sne.s32 s28, $0x1F00;
	v3 =	vld [tilespmem:s26+$0x1800];
	_ =	sdelay $0x3  }
.Ltmp0:
0x7c: {  	v2 =	vadd.f32 v0, v2;
	(pc) =	sbr.rel @p0 .LBB2_3-.Ltmp0, $4  }
0x7d: {  	s24 =	sshra.s32 s28, $0x2;
	v3 =	vadd.f32 v1, v3  }
0x7e: {  	v0 =	vld [tilespmem:s24+$0x2000];
	v2 =	vmax.f32 v2, $0.0e+00  }
0x7f: {  	v1 =	vld [tilespmem:s24+$0x2800];
	[tilespmem:s26+$0x1000] =	vst v2;
	v3 =	vmax.f32 v3, $0.0e+00  }
0x80: {  	s28 =	sadd.s32 $0x40, s28;
	v2 =	vld [tilespmem:s24+$0x1000];
	[tilespmem:s26+$0x1800] =	vst v3;
	s26 =	smov.u32 s24  }
0x81: {  	v3 =	vld [tilespmem:s26+$0x1800];
	_ =	sdelay $0x3  }
0x82: {  	v0 =	vadd.f32 v0, v2  }
0x83: {  	v1 =	vadd.f32 v1, v3  }
0x84: {  	v0 =	vmax.f32 v0, $0.0e+00  }
0x85: {  	[tilespmem:s26+$0x1000] =	vst v0;
	v63 =	vmax.f32 v1, $0.0e+00  }
0x86: {  	[tilespmem:s26+$0x1800] =	vst v63  }
0x87: {  	[spmem:s6] =	stream.indirect.scatter.add.f32 [tilespmem:s30], [sflag:$0x3], $0x1, s29, s9, $0xb8;
	[tilespmem:$0xA880] =	vst v63  }
0x88: {  	_ = 	snop  }
0x89: {  	[spmem:s7] =	stream.indirect.scatter.add.f32 [tilespmem:s31], [sflag:$0x3], $0x1, s29, s9, $0xb8;
	[tilespmem:$0xA880] =	vst v63  }
0x8a: {  	_ = 	snop  }
0x8b: {  	[spmem:s8] =	stream.indirect.scatter.add.f32 [tilespmem:s20], [sflag:$0x3], $0x1, s29, s9, $0xb8;
	[tilespmem:$0xA880] =	vst v63  }
0x8c: {  	_ = 	snop  }
0x8d: {  	[spmem:s10] =	stream.indirect.scatter.add.f32 [tilespmem:s30], [sflag:$0x3], $0x1, s13, s9, $0xb8;
	[tilespmem:$0xA880] =	vst v63  }
0x8e: {  	_ = 	snop  }
0x8f: {  	[spmem:s11] =	stream.indirect.scatter.add.f32 [tilespmem:s31], [sflag:$0x3], $0x1, s13, s9, $0xb8;
	[tilespmem:$0xA880] =	vst v63  }
0x90: {  	_ = 	snop  }
0x91: {  	[spmem:s12] =	stream.indirect.scatter.add.f32 [tilespmem:s20], [sflag:$0x3], $0x1, s13, s9, $0xb8;
	[tilespmem:$0xA880] =	vst v63  }
0x92: {  	_ =	swait.ge [sflag:s23], $0x7D0  }
0x93: {  	[sflag:s23] =	ssyncset.done $0x0  }
0x94: {  	[sflag:s23] =	ssyncadd.s32 $0xFFFFF830  }
0x95: {  	_ =	swait.ge [sflag:s23], $0x7D0  }
0x96: {  	[sflag:s23] =	ssyncset.done $0x0  }
0x97: {  	[sflag:s23] =	ssyncadd.s32 $0xFFFFF830  }
0x98: {  	_ =	swait.ge [sflag:s23], $0x7D0  }
0x99: {  	[sflag:s23] =	ssyncset.done $0x0  }
0x9a: {  	[sflag:s23] =	ssyncadd.s32 $0xFFFFF830  }
0x9b: {  	_ =	swait.ge [sflag:s23], $0x7D0  }
0x9c: {  	[sflag:s23] =	ssyncset.done $0x0  }
0x9d: {  	s25 =	sadd.s32 $0x1, s25;
	[sflag:s23] =	ssyncadd.s32 $0xFFFFF830  }
0x9e: {  	p0 =	sne.s32 s25, s16;
	_ =	swait.ge [sflag:s23], $0x7D0  }
.Ltmp1:
0x9f: {  	[sflag:s23] =	ssyncset.done $0x0;
	(pc) =	sbr.rel @p0 .LBB2_2-.Ltmp1, $4  }
0xa0: {  	[sflag:s23] =	ssyncadd.s32 $0xFFFFF830  }
0xa1: {  	_ =	swait.ge [sflag:s23], $0x7D0  }
0xa2: {  	[sflag:s23] =	ssyncset.done $0x0  }
0xa3: {  	[sflag:s23] =	ssyncadd.s32 $0xFFFFF830  }
0xa4: {  	[bflag:$0x0] =	sbarrier.arrive $0xFFFF  }
0xa5: {  	s0 =	rddreg [dreg:$0x12]  }
0xa6: {  	[tilespmem:s18], [sflag:$0x4] =	stream.linear.gather [spmem:s0], $0xC80, $0x38;
	[tilespmem:$0xA880] =	vst v63  }
0xa7: {  	_ =	swait.ge [sflag:s19], $0xC80  }
0xa8: {  	[sflag:s19] =	ssyncset.done $0x0  }
0xa9: {  	s24 =	rddreg [dreg:$0x17];
	[sflag:s19] =	ssyncadd.s32 $0xFFFFF380  }
0xaa: {  	[hbm4b:s24+s13] =	stream.linear.scatter [tilespmem:s18], [sflag:$0x4], $0xC80, $0x38;
	[tilespmem:$0xA880] =	vst v63  }
0xab: {  	_ =	swait.ge [sflag:s19], $0xC80  }
0xac: {  	[sflag:s19] =	ssyncset.done $0x0  }
0xad: {  	s24 =	rddreg [dreg:$0x13];
	[sflag:s19] =	ssyncadd.s32 $0xFFFFF380  }
0xae: {  	[tilespmem:s18], [sflag:$0x4] =	stream.linear.gather [spmem:s24], $0xC80, $0x38;
	[tilespmem:$0xA880] =	vst v63  }
0xaf: {  	_ =	swait.ge [sflag:s19], $0xC80  }
0xb0: {  	[sflag:s19] =	ssyncset.done $0x0  }
0xb1: {  	s25 =	rddreg [dreg:$0x18];
	[sflag:s19] =	ssyncadd.s32 $0xFFFFF380  }
0xb2: {  	[hbm4b:s25+s13] =	stream.linear.scatter [tilespmem:s18], [sflag:$0x4], $0xC80, $0x38;
	[tilespmem:$0xA880] =	vst v63  }
0xb3: {  	_ =	swait.ge [sflag:s19], $0xC80  }
0xb4: {  	[sflag:s19] =	ssyncset.done $0x0  }
0xb5: {  	s26 =	rddreg [dreg:$0x14];
	[sflag:s19] =	ssyncadd.s32 $0xFFFFF380  }
0xb6: {  	[tilespmem:s18], [sflag:$0x4] =	stream.linear.gather [spmem:s26], $0xC80, $0x38;
	[tilespmem:$0xA880] =	vst v63  }
0xb7: {  	_ =	swait.ge [sflag:s19], $0xC80  }
0xb8: {  	[sflag:s19] =	ssyncset.done $0x0  }
0xb9: {  	s0 =	rddreg [dreg:$0x19];
	[sflag:s19] =	ssyncadd.s32 $0xFFFFF380  }
0xba: {  	[hbm4b:s0+s13] =	stream.linear.scatter [tilespmem:s18], [sflag:$0x4], $0xC80, $0x38;
	[tilespmem:$0xA880] =	vst v63  }
0xbb: {  	_ =	swait.ge [sflag:s19], $0xC80  }
0xbc: {  	[sflag:s19] =	ssyncset.done $0x0  }
0xbd: {  	s24 =	rddreg [dreg:$0x15];
	[sflag:s19] =	ssyncadd.s32 $0xFFFFF380  }
0xbe: {  	[tilespmem:s18], [sflag:$0x4] =	stream.linear.gather [spmem:s24], $0xC80, $0x38;
	[tilespmem:$0xA880] =	vst v63  }
0xbf: {  	_ =	swait.ge [sflag:s19], $0xC80  }
0xc0: {  	[sflag:s19] =	ssyncset.done $0x0  }
0xc1: {  	s25 =	rddreg [dreg:$0x1a];
	[sflag:s19] =	ssyncadd.s32 $0xFFFFF380  }
0xc2: {  	[hbm4b:s25+s13] =	stream.linear.scatter [tilespmem:s18], [sflag:$0x4], $0xC80, $0x38;
	[tilespmem:$0xA880] =	vst v63  }
0xc3: {  	_ =	swait.ge [sflag:s19], $0xC80  }
0xc4: {  	[sflag:s19] =	ssyncset.done $0x0  }
0xc5: {  	s25 =	rddreg [dreg:$0x1f];
	[sflag:s19] =	ssyncadd.s32 $0xFFFFF380  }
0xc6: {  	[tilespmem:s18], [sflag:$0x4] =	stream.linear.gather [spmem:s25], $0xC80, $0x38;
	[tilespmem:$0xA880] =	vst v63  }
0xc7: {  	_ =	swait.ge [sflag:s19], $0xC80  }
0xc8: {  	[sflag:s19] =	ssyncset.done $0x0  }
0xc9: {  	s26 =	rddreg [dreg:$0x1b];
	[sflag:s19] =	ssyncadd.s32 $0xFFFFF380  }
0xca: {  	[hbm4b:s26+s13] =	stream.linear.scatter [tilespmem:s18], [sflag:$0x4], $0xC80, $0x38;
	[tilespmem:$0xA880] =	vst v63  }
0xcb: {  	_ =	swait.ge [sflag:s19], $0xC80  }
0xcc: {  	[sflag:s19] =	ssyncset.done $0x0  }
0xcd: {  	s25 =	rddreg [dreg:$0x16];
	[sflag:s19] =	ssyncadd.s32 $0xFFFFF380  }
0xce: {  	[tilespmem:s18], [sflag:$0x4] =	stream.linear.gather [spmem:s25], $0xC80, $0x38;
	[tilespmem:$0xA880] =	vst v63  }
0xcf: {  	_ =	swait.ge [sflag:s19], $0xC80  }
0xd0: {  	[sflag:s19] =	ssyncset.done $0x0  }
0xd1: {  	s26 =	simm.s32 $0x3800;
	s0 =	rddreg [dreg:$0x1c];
	[sflag:s19] =	ssyncadd.s32 $0xFFFFF380  }
0xd2: {  	[hbm4b:s0+s13] =	stream.linear.scatter [tilespmem:s26], [sflag:$0x4], $0xC80, $0x38;
	[tilespmem:$0xA880] =	vst v63  }
0xd3: {  	_ =	swait.ge [sflag:s19], $0xC80  }
0xd4: {  	s28 =	rddreg [dreg:$0x1e]  }
0xd5: {  	s0 =	rddreg [dreg:$0x1d];
	s28 =	sadd.s32 $0x1, s28  }
0xd6: {  	p0 =	sne.s32 s28, s0  }
.Ltmp2:
0xd7: {  	_ = 	snop;
	(pc) =	sbr.rel @p0 .LBB2_1-.Ltmp2, $4  }
0xd8: {  	_ = 	snop  }
0xd9: {  	[sflag:s19] =	ssyncset.done $0x0;
	[dreg:$0x1e] =	wrdreg s28  }
0xda: {  	[sflag:s19] =	ssyncadd.s32 $0xFFFFF380;
	s28 =	rddreg [dreg:$0x12]  }
0xdb: {  	s0 =	rddreg [dreg:$0x0]  }
0xdc: {  	_ =	sfence.sel $0x180000  }
0xdd: {  	[bflag:$0x0] =	sbarrier.arrive $0xFFFF  }
0xde: {  	_ =	strace $0x90000047  }
0xdf: {  	s0 =	stileid.u32;
	[bflag:$0x2] =	sbarrier.arrive $0xFFFF  }
0xe0: {  	p0 =	sne.s32 s0, $0x0;
	s0 =	rddreg [dreg:$0xc]  }
0xe1: {  	s0 =	sadd.s32 @!p0 $0x100000, s0  }
0xe2: {  	[sflag:s0] =	ssyncadd.tile.s32 @!p0 $0x1;
	_ =	shalt  }
.Lfunc_end2:
_tile_overlayer_lowered:
.L_overlay_start_2:
0xe3: {  	(tag) =	ssettag $0x2  }
0xe4: {  	s0 =	rddreg [dreg:$0x0];
	s2 =	stileid.u32  }
0xe5: {  	s1 =	rddreg [dreg:$0x1];
	p0 =	sne.s32 s2, $0x0  }
0xe6: {  	s3 =	rddreg [dreg:$0x2];
	[bflag:$0x3] =	sbarrier.arrive $0xFFFF;
	s2 =	simm.s32 @!p0 $0x1C04  }
0xe7: {  	[timem:s3], [sflag:s2] =	dma.local @!p0 [hbm:s0], s1  }
0xe8: {  	s0 =	simm.s32 @!p0 $0x4  }
0xe9: {  	_ =	swait.ge @!p0 [sflag:s0], s1  }
0xea: {  	s1 =	ssub.s32 @!p0 $0x0, s1;
	[sflag:s0] =	ssyncset.done @!p0 $0x0  }
0xeb: {  	[sflag:s0] =	ssyncadd.s32 @!p0 s1  }
0xec: {  	[bflag:$0x3] =	sbarrier.arrive $0xFFFF  }
0xed: {  	_ =	shalt  }

</sc_bundles>
